<compile_context>
chip_gen: v7x
topology: tpu7x:2x2x1
jax: 0.10.2.dev20260603
libtpu: 0.0.44.dev20260713+nightly
codegen_flags: <defaults>
</compile_context>

<pallas_src>
import functools

import jax
import jax.numpy as jnp
from jax import lax
from jax.experimental import pallas as pl
from jax.experimental.pallas import tpu as pltpu
from jax.experimental.pallas import tpu_sc as plsc

TOP_K = 2
TM = 128
TN = 512

SC_NC = 2
SC_NS = 16
SC_NW = SC_NC * SC_NS


def _gating_body(x_ref, gwt_ref, gb_ref, gates_ref, idx_ref, *, n_experts):
    x = x_ref[...]
    logits = jnp.dot(x, gwt_ref[...], preferred_element_type=jnp.float32)
    logits = logits + gb_ref[...]
    m = jnp.max(logits, axis=1, keepdims=True)
    ex = jnp.exp(logits - m)
    p = ex / jnp.sum(ex, axis=1, keepdims=True)
    cols = jax.lax.broadcasted_iota(jnp.int32, p.shape, 1)
    v1 = jnp.max(p, axis=1, keepdims=True)
    i1 = jnp.min(jnp.where(p >= v1, cols, n_experts), axis=1, keepdims=True)
    pm = jnp.where(cols == i1, -1.0, p)
    v2 = jnp.max(pm, axis=1, keepdims=True)
    i2 = jnp.min(jnp.where(pm >= v2, cols, n_experts), axis=1, keepdims=True)
    gates_ref[...] = jnp.concatenate([v1, v2], axis=1)
    idx_ref[...] = jnp.concatenate([i1, i2], axis=1)


def _sc_distribute(dest_even, dest_odd, x, ge, go, m_pad):
    t, width = x.shape
    gw = ge.shape[1]
    tok_per_w = t // SC_NW
    mesh = plsc.VectorSubcoreMesh(core_axis_name="c", subcore_axis_name="s")

    @functools.partial(
        pl.kernel, mesh=mesh,
        out_type=[
            jax.ShapeDtypeStruct((m_pad, width), x.dtype),
            jax.ShapeDtypeStruct((m_pad, gw), jnp.float32),
        ],
        scratch_types=[
            pltpu.VMEM((tok_per_w,), jnp.int32),
            pltpu.VMEM((tok_per_w,), jnp.int32),
            pltpu.VMEM((tok_per_w, width), x.dtype),
            pltpu.VMEM((tok_per_w, gw), jnp.float32),
            pltpu.SemaphoreType.DMA,
        ],
    )
    def k(de_hbm, do_hbm, x_hbm, ge_hbm, go_hbm, out_hbm, gs_hbm,
          ie_v, io_v, rows_v, g_v, sem):
        wid = lax.axis_index("s") * SC_NC + lax.axis_index("c")
        base = wid * tok_per_w
        pltpu.sync_copy(de_hbm.at[pl.ds(base, tok_per_w)], ie_v)
        pltpu.sync_copy(do_hbm.at[pl.ds(base, tok_per_w)], io_v)
        pltpu.sync_copy(x_hbm.at[pl.ds(base, tok_per_w)], rows_v)
        pltpu.async_copy(rows_v, out_hbm.at[ie_v], sem).wait()
        pltpu.async_copy(rows_v, out_hbm.at[io_v], sem).wait()
        pltpu.sync_copy(ge_hbm.at[pl.ds(base, tok_per_w)], g_v)
        pltpu.async_copy(g_v, gs_hbm.at[ie_v], sem).wait()
        pltpu.sync_copy(go_hbm.at[pl.ds(base, tok_per_w)], g_v)
        pltpu.async_copy(g_v, gs_hbm.at[io_v], sem).wait()

    return k(dest_even, dest_odd, x, ge, go)


def _sc_gather(idx, table, chunk):
    rows = idx.shape[0]
    width = table.shape[1]
    dtype = table.dtype
    b_per_w = rows // SC_NW
    n_chunks = b_per_w // chunk
    mesh = plsc.VectorSubcoreMesh(core_axis_name="c", subcore_axis_name="s")

    @functools.partial(
        pl.kernel, mesh=mesh,
        out_type=jax.ShapeDtypeStruct((rows, width), dtype),
        scratch_types=[
            pltpu.VMEM((chunk,), jnp.int32),
            pltpu.VMEM((chunk, width), dtype),
            pltpu.SemaphoreType.DMA,
        ],
    )
    def k(idx_hbm, table_hbm, out_hbm, idx_v, rows_v, sem):
        wid = lax.axis_index("s") * SC_NC + lax.axis_index("c")
        base = wid * b_per_w

        def body(i, carry):
            off = base + i * chunk
            pltpu.sync_copy(idx_hbm.at[pl.ds(off, chunk)], idx_v)
            pltpu.async_copy(table_hbm.at[idx_v], rows_v, sem).wait()
            pltpu.sync_copy(rows_v, out_hbm.at[pl.ds(off, chunk)])
            return carry

        jax.lax.fori_loop(0, n_chunks, body, 0)

    return k(idx, table)


def _combine_body(yg0_ref, yg1_ref, out_ref):
    out_ref[...] = yg0_ref[0] + yg1_ref[0]


def _mm_body(tile_expert_ref, nact_ref, x_hbm, w_ref, b_ref, gs_ref, out_ref,
             xs, wbf, sem, *, tm):
    nt = pl.program_id(0)
    mt = pl.program_id(1)

    @pl.when((nt == 0) & (mt == 0))
    def _load_x():
        pltpu.make_async_copy(x_hbm, xs, sem).start()
        pltpu.make_async_copy(x_hbm, xs, sem).wait()

    changed = (mt == 0) | (tile_expert_ref[mt] != tile_expert_ref[
        jnp.maximum(mt - 1, 0)])

    @pl.when(changed)
    def _cast_w():
        wbf[...] = w_ref[0].astype(jnp.bfloat16)

    @pl.when(mt < nact_ref[0])
    def _compute():
        acc = jnp.dot(xs[pl.ds(mt * tm, tm), :], wbf[...],
                      preferred_element_type=jnp.float32)
        out_ref[...] = (acc + b_ref[0]) * gs_ref[:, 0:1]

    @pl.when(mt >= nact_ref[0])
    def _zero():
        out_ref[...] = jnp.zeros_like(out_ref)


def kernel(sequences, expert_weights, expert_biases, gating_w, gating_b):
    n, p, d = sequences.shape
    e, _, f = expert_weights.shape
    t = n * p
    s = t * TOP_K
    m_pad = s + e * TM
    m_tiles = m_pad // TM
    n_tiles = f // TN

    x = sequences.reshape(t, d)

    gates, idx = pl.pallas_call(
        functools.partial(_gating_body, n_experts=e),
        out_shape=[
            jax.ShapeDtypeStruct((t, TOP_K), jnp.float32),
            jax.ShapeDtypeStruct((t, TOP_K), jnp.int32),
        ],
    )(x, gating_w.T, gating_b.reshape(1, e))

    ei = idx.reshape(-1)
    onehot = (ei[:, None] == jnp.arange(e, dtype=ei.dtype)).astype(jnp.int32)
    incl = jnp.cumsum(onehot, axis=0)
    rank = jnp.take_along_axis(incl, ei[:, None], axis=1)[:, 0] - 1
    counts = incl[-1]
    padded = ((counts + TM - 1) // TM) * TM
    pad_end = jnp.cumsum(padded)
    pad_start = pad_end - padded
    dest = pad_start[ei] + rank
    nactive = (pad_end[-1] // TM).astype(jnp.int32).reshape(1)
    tile_starts = jnp.arange(m_tiles, dtype=jnp.int32) * TM
    tile_expert = jnp.minimum(
        (tile_starts[:, None] >= pad_end[None, :]).sum(axis=1), e - 1
    ).astype(jnp.int32)
    dest2 = dest.reshape(t, TOP_K)
    dest_even = dest2[:, 0].astype(jnp.int32)
    dest_odd = dest2[:, 1].astype(jnp.int32)
    ge = jnp.broadcast_to((gates[:, 0] * (1.0 / TOP_K))[:, None], (t, 128))
    go = jnp.broadcast_to((gates[:, 1] * (1.0 / TOP_K))[:, None], (t, 128))

    xs, gs = _sc_distribute(dest_even, dest_odd, x, ge, go, m_pad)
    xs = xs.astype(jnp.bfloat16)

    grid_spec = pltpu.PrefetchScalarGridSpec(
        num_scalar_prefetch=2,
        grid=(n_tiles, m_tiles),
        in_specs=[
            pl.BlockSpec(memory_space=pl.ANY),
            pl.BlockSpec((1, d, TN), lambda nt, mt, te, na: (te[mt], 0, nt)),
            pl.BlockSpec((1, 1, TN), lambda nt, mt, te, na: (te[mt], 0, nt)),
            pl.BlockSpec((TM, 128), lambda nt, mt, te, na: (mt, 0)),
        ],
        out_specs=pl.BlockSpec((TM, TN), lambda nt, mt, te, na: (mt, nt)),
        scratch_shapes=[
            pltpu.VMEM((m_pad, d), jnp.bfloat16),
            pltpu.VMEM((d, TN), jnp.bfloat16),
            pltpu.SemaphoreType.DMA,
        ],
    )
    y = pl.pallas_call(
        functools.partial(_mm_body, tm=TM),
        grid_spec=grid_spec,
        out_shape=jax.ShapeDtypeStruct((m_pad, f), jnp.float32),
    )(tile_expert, nactive, xs, expert_weights,
      expert_biases.reshape(e, 1, f), gs)

    comb_src = jnp.concatenate([dest_even, dest_odd])
    yg = _sc_gather(comb_src, y, 16).reshape(TOP_K, t, f)

    tb = 256
    out = pl.pallas_call(
        _combine_body,
        grid=(t // tb,),
        in_specs=[
            pl.BlockSpec((1, tb, f), lambda i: (0, i, 0)),
            pl.BlockSpec((1, tb, f), lambda i: (1, i, 0)),
        ],
        out_specs=pl.BlockSpec((tb, f), lambda i: (i, 0)),
        out_shape=jax.ShapeDtypeStruct((t, f), jnp.float32),
    )(yg, yg)

    return out.reshape(n, p, f)

# --- scband reference (transcript-rebuilt; emitter-appended) ---
"""Pipeline reference for scband-unified-expert-mo-e-31172872635040 (READ-ONLY COPY).

The authoritative reference and input builder live on the scoring server;
editing this copy changes nothing except your own understanding.
"""

import jax, jax.numpy as jnp
import numpy as np

N_EXPERTS = 8
D_MODEL = 1024
D_INNER = 4096
TOP_K = 2


def setup_inputs(seed: int = 0) -> dict:
    key = jax.random.key(seed)
    k1, k2, k3, k4 = jax.random.split(key, 4)
    sequences = jax.random.normal(k1, (1, 2048, D_MODEL), dtype=jnp.float32)
    # xavier_uniform_ on [E, d_model, d_inner]: fan_in=d_model, fan_out=d_inner
    bound = float(np.sqrt(6.0 / (D_MODEL + D_INNER)))
    expert_weights = jax.random.uniform(k2, (N_EXPERTS, D_MODEL, D_INNER), minval=-bound, maxval=bound, dtype=jnp.float32)
    expert_biases = jnp.zeros((N_EXPERTS, D_INNER), dtype=jnp.float32)
    # nn.Linear(d_model, n_experts) default init
    gb = float(np.sqrt(1.0 / D_MODEL))
    gating_w = jax.random.uniform(k3, (N_EXPERTS, D_MODEL), minval=-gb, maxval=gb, dtype=jnp.float32)
    gating_b = jax.random.uniform(k4, (N_EXPERTS,), minval=-gb, maxval=gb, dtype=jnp.float32)
    return {"sequences": sequences, "expert_weights": expert_weights, "expert_biases": expert_biases, "gating_w": gating_w, "gating_b": gating_b}


def reference(sequences, expert_weights, expert_biases, gating_w, gating_b):
    N, P, D = sequences.shape
    x = sequences.reshape(-1, D)  # [N*P, d_model]
    logits = x @ gating_w.T + gating_b
    gating_scores = jax.nn.softmax(logits, axis=-1)
    top_k_values, top_k_indices = jax.lax.top_k(gating_scores, TOP_K)
    d_inner = expert_biases.shape[-1]
    # Math-equivalent to per-token gather of expert weights + bmm:
    # compute all-expert outputs densely, then gather selected expert per token.
    all_out = jnp.einsum('nd,edi->nei', x, expert_weights) + expert_biases[None, :, :]
    output = jnp.zeros((N * P, d_inner), dtype=jnp.float32)
    for i in range(TOP_K):
        idx = top_k_indices[:, i]
        expert_output = jnp.take_along_axis(all_out, idx[:, None, None], axis=1)[:, 0, :]
        output = output + expert_output * top_k_values[:, i][:, None]
    output = output / TOP_K
    return output.reshape(N, P, -1)

if __name__ == "__main__":
    import jax
    _d = setup_inputs()
    print(jax.jit(kernel)(*tuple(_d.values())))

</pallas_src>

<mosaic_0001>
#map = affine_map<(d0, d1) -> (0)>
#map1 = affine_map<(d0, d1) -> (0, 0)>
module attributes {stable_mosaic.version = 14 : i64} {
  func.func @k(%arg0: i32, %arg1: i32, %arg2: memref<2048xi32, #tpu.memory_space<hbm>>, %arg3: memref<2048xi32, #tpu.memory_space<hbm>>, %arg4: memref<2048x1024xf32, #tpu.memory_space<hbm>>, %arg5: memref<2048x128xf32, #tpu.memory_space<hbm>>, %arg6: memref<2048x128xf32, #tpu.memory_space<hbm>>, %arg7: memref<5120x1024xf32, #tpu.memory_space<hbm>>, %arg8: memref<5120x128xf32, #tpu.memory_space<hbm>>, %arg9: memref<64xi32, #tpu.memory_space<vmem>>, %arg10: memref<64xi32, #tpu.memory_space<vmem>>, %arg11: memref<64x1024xf32, #tpu.memory_space<vmem>>, %arg12: memref<64x128xf32, #tpu.memory_space<vmem>>, %arg13: memref<!tpu.dma_semaphore, #tpu.memory_space<semaphore_mem>>) attributes {dimension_semantics = [#tpu.dimension_semantics<core_parallel>, #tpu.dimension_semantics<subcore_parallel>], iteration_bounds = array<i64: 2, 16>, scalar_prefetch = 0 : i64, scratch_operands = 5 : i64, tpu.core_type = #tpu.core_type<sc_vector_subcore>, window_params = [{transform_indices = #map}, {transform_indices = #map}, {transform_indices = #map1}, {transform_indices = #map1}, {transform_indices = #map1}, {transform_indices = #map1}, {transform_indices = #map1}]} {
    %mul3A = arith.constant 2 : i32
    %mul3A_0 = arith.muli %arg1, %mul3A : i32
    %add3A = arith.addi %mul3A_0, %arg0 : i32
    %mul3A_1 = arith.constant 64 : i32
    %mul3A_2 = arith.muli %add3A, %mul3A_1 : i32
    "tpu.region"() ({
      %run_scoped3A = tpu.sem_alloc : memref<!tpu.dma_semaphore, #tpu.memory_space<semaphore_mem>>
      %dma_start3A_25 = tpu.memref_slice %arg2[%mul3A_2] : memref<2048xi32, #tpu.memory_space<hbm>> -> memref<64xi32, #tpu.memory_space<hbm>>
      %dma_start3A_26 = tpu.memref_slice %arg2[%mul3A_2] : memref<2048xi32, #tpu.memory_space<hbm>> -> memref<64xi32, #tpu.memory_space<hbm>>
      tpu.enqueue_dma source(%dma_start3A_26 : memref<64xi32, #tpu.memory_space<hbm>>) target(%arg9 : memref<64xi32, #tpu.memory_space<vmem>>) target_semaphore(%run_scoped3A : memref<!tpu.dma_semaphore, #tpu.memory_space<semaphore_mem>>)
      %dma_wait3A_27 = tpu.memref_slice %arg2[%mul3A_2] : memref<2048xi32, #tpu.memory_space<hbm>> -> memref<64xi32, #tpu.memory_space<hbm>>
      %dma_wait3A_28 = tpu.memref_slice %arg2[%mul3A_2] : memref<2048xi32, #tpu.memory_space<hbm>> -> memref<64xi32, #tpu.memory_space<hbm>>
      tpu.wait_dma2 semaphore(%run_scoped3A : memref<!tpu.dma_semaphore, #tpu.memory_space<semaphore_mem>>) src(%dma_wait3A_28 : memref<64xi32, #tpu.memory_space<hbm>>) dst(%arg9 : memref<64xi32, #tpu.memory_space<vmem>>)
      tpu.yield
    }) : () -> ()
    "tpu.region"() ({
      %run_scoped3A = tpu.sem_alloc : memref<!tpu.dma_semaphore, #tpu.memory_space<semaphore_mem>>
      %dma_start3A_25 = tpu.memref_slice %arg3[%mul3A_2] : memref<2048xi32, #tpu.memory_space<hbm>> -> memref<64xi32, #tpu.memory_space<hbm>>
      %dma_start3A_26 = tpu.memref_slice %arg3[%mul3A_2] : memref<2048xi32, #tpu.memory_space<hbm>> -> memref<64xi32, #tpu.memory_space<hbm>>
      tpu.enqueue_dma source(%dma_start3A_26 : memref<64xi32, #tpu.memory_space<hbm>>) target(%arg10 : memref<64xi32, #tpu.memory_space<vmem>>) target_semaphore(%run_scoped3A : memref<!tpu.dma_semaphore, #tpu.memory_space<semaphore_mem>>)
      %dma_wait3A_27 = tpu.memref_slice %arg3[%mul3A_2] : memref<2048xi32, #tpu.memory_space<hbm>> -> memref<64xi32, #tpu.memory_space<hbm>>
      %dma_wait3A_28 = tpu.memref_slice %arg3[%mul3A_2] : memref<2048xi32, #tpu.memory_space<hbm>> -> memref<64xi32, #tpu.memory_space<hbm>>
      tpu.wait_dma2 semaphore(%run_scoped3A : memref<!tpu.dma_semaphore, #tpu.memory_space<semaphore_mem>>) src(%dma_wait3A_28 : memref<64xi32, #tpu.memory_space<hbm>>) dst(%arg10 : memref<64xi32, #tpu.memory_space<vmem>>)
      tpu.yield
    }) : () -> ()
    "tpu.region"() ({
      %run_scoped3A = tpu.sem_alloc : memref<!tpu.dma_semaphore, #tpu.memory_space<semaphore_mem>>
      %dma_start3A_25 = arith.constant 0 : i32
      %dma_start3A_26 = tpu.memref_slice %arg4[%mul3A_2, %dma_start3A_25] : memref<2048x1024xf32, #tpu.memory_space<hbm>> -> memref<64x1024xf32, #tpu.memory_space<hbm>>
      %dma_start3A_27 = arith.constant 0 : i32
      %dma_start3A_28 = tpu.memref_slice %arg4[%mul3A_2, %dma_start3A_27] : memref<2048x1024xf32, #tpu.memory_space<hbm>> -> memref<64x1024xf32, #tpu.memory_space<hbm>>
      tpu.enqueue_dma source(%dma_start3A_28 : memref<64x1024xf32, #tpu.memory_space<hbm>>) target(%arg11 : memref<64x1024xf32, #tpu.memory_space<vmem>>) target_semaphore(%run_scoped3A : memref<!tpu.dma_semaphore, #tpu.memory_space<semaphore_mem>>)
      %dma_wait3A_29 = arith.constant 0 : i32
      %dma_wait3A_30 = tpu.memref_slice %arg4[%mul3A_2, %dma_wait3A_29] : memref<2048x1024xf32, #tpu.memory_space<hbm>> -> memref<64x1024xf32, #tpu.memory_space<hbm>>
      %dma_wait3A_31 = arith.constant 0 : i32
      %dma_wait3A_32 = tpu.memref_slice %arg4[%mul3A_2, %dma_wait3A_31] : memref<2048x1024xf32, #tpu.memory_space<hbm>> -> memref<64x1024xf32, #tpu.memory_space<hbm>>
      tpu.wait_dma2 semaphore(%run_scoped3A : memref<!tpu.dma_semaphore, #tpu.memory_space<semaphore_mem>>) src(%dma_wait3A_32 : memref<64x1024xf32, #tpu.memory_space<hbm>>) dst(%arg11 : memref<64x1024xf32, #tpu.memory_space<vmem>>)
      tpu.yield
    }) : () -> ()
    %dma_start3A = arith.constant 0 : i32
    %dma_start3A_3 = arith.constant 0 : i32
    %dma_start3A_4 = tpu.memref_slice %arg7[%dma_start3A, %dma_start3A_3] : memref<5120x1024xf32, #tpu.memory_space<hbm>> -> memref<5120x1024xf32, #tpu.memory_space<hbm>>
    tpu.enqueue_indirect_dma source(%arg11 : memref<64x1024xf32, #tpu.memory_space<vmem>>) target(%dma_start3A_4 : memref<5120x1024xf32, #tpu.memory_space<hbm>>) offsets(%arg9 : memref<64xi32, #tpu.memory_space<vmem>>) semaphore(%arg13 : memref<!tpu.dma_semaphore, #tpu.memory_space<semaphore_mem>>)
    %dma_wait3A = arith.constant 0 : i32
    %dma_wait3A_5 = arith.constant 0 : i32
    %dma_wait3A_6 = tpu.memref_slice %arg7[%dma_wait3A, %dma_wait3A_5] : memref<5120x1024xf32, #tpu.memory_space<hbm>> -> memref<5120x1024xf32, #tpu.memory_space<hbm>>
    tpu.wait_indirect_dma semaphore(%arg13 : memref<!tpu.dma_semaphore, #tpu.memory_space<semaphore_mem>>) src(%arg11 : memref<64x1024xf32, #tpu.memory_space<vmem>>) dst(%dma_wait3A_6 : memref<5120x1024xf32, #tpu.memory_space<hbm>>)
    %dma_start3A_7 = arith.constant 0 : i32
    %dma_start3A_8 = arith.constant 0 : i32
    %dma_start3A_9 = tpu.memref_slice %arg7[%dma_start3A_7, %dma_start3A_8] : memref<5120x1024xf32, #tpu.memory_space<hbm>> -> memref<5120x1024xf32, #tpu.memory_space<hbm>>
    tpu.enqueue_indirect_dma source(%arg11 : memref<64x1024xf32, #tpu.memory_space<vmem>>) target(%dma_start3A_9 : memref<5120x1024xf32, #tpu.memory_space<hbm>>) offsets(%arg10 : memref<64xi32, #tpu.memory_space<vmem>>) semaphore(%arg13 : memref<!tpu.dma_semaphore, #tpu.memory_space<semaphore_mem>>)
    %dma_wait3A_10 = arith.constant 0 : i32
    %dma_wait3A_11 = arith.constant 0 : i32
    %dma_wait3A_12 = tpu.memref_slice %arg7[%dma_wait3A_10, %dma_wait3A_11] : memref<5120x1024xf32, #tpu.memory_space<hbm>> -> memref<5120x1024xf32, #tpu.memory_space<hbm>>
    tpu.wait_indirect_dma semaphore(%arg13 : memref<!tpu.dma_semaphore, #tpu.memory_space<semaphore_mem>>) src(%arg11 : memref<64x1024xf32, #tpu.memory_space<vmem>>) dst(%dma_wait3A_12 : memref<5120x1024xf32, #tpu.memory_space<hbm>>)
    "tpu.region"() ({
      %run_scoped3A = tpu.sem_alloc : memref<!tpu.dma_semaphore, #tpu.memory_space<semaphore_mem>>
      %dma_start3A_25 = arith.constant 0 : i32
      %dma_start3A_26 = tpu.memref_slice %arg5[%mul3A_2, %dma_start3A_25] : memref<2048x128xf32, #tpu.memory_space<hbm>> -> memref<64x128xf32, #tpu.memory_space<hbm>>
      %dma_start3A_27 = arith.constant 0 : i32
      %dma_start3A_28 = tpu.memref_slice %arg5[%mul3A_2, %dma_start3A_27] : memref<2048x128xf32, #tpu.memory_space<hbm>> -> memref<64x128xf32, #tpu.memory_space<hbm>>
      tpu.enqueue_dma source(%dma_start3A_28 : memref<64x128xf32, #tpu.memory_space<hbm>>) target(%arg12 : memref<64x128xf32, #tpu.memory_space<vmem>>) target_semaphore(%run_scoped3A : memref<!tpu.dma_semaphore, #tpu.memory_space<semaphore_mem>>)
      %dma_wait3A_29 = arith.constant 0 : i32
      %dma_wait3A_30 = tpu.memref_slice %arg5[%mul3A_2, %dma_wait3A_29] : memref<2048x128xf32, #tpu.memory_space<hbm>> -> memref<64x128xf32, #tpu.memory_space<hbm>>
      %dma_wait3A_31 = arith.constant 0 : i32
      %dma_wait3A_32 = tpu.memref_slice %arg5[%mul3A_2, %dma_wait3A_31] : memref<2048x128xf32, #tpu.memory_space<hbm>> -> memref<64x128xf32, #tpu.memory_space<hbm>>
      tpu.wait_dma2 semaphore(%run_scoped3A : memref<!tpu.dma_semaphore, #tpu.memory_space<semaphore_mem>>) src(%dma_wait3A_32 : memref<64x128xf32, #tpu.memory_space<hbm>>) dst(%arg12 : memref<64x128xf32, #tpu.memory_space<vmem>>)
      tpu.yield
    }) : () -> ()
    %dma_start3A_13 = arith.constant 0 : i32
    %dma_start3A_14 = arith.constant 0 : i32
    %dma_start3A_15 = tpu.memref_slice %arg8[%dma_start3A_13, %dma_start3A_14] : memref<5120x128xf32, #tpu.memory_space<hbm>> -> memref<5120x128xf32, #tpu.memory_space<hbm>>
    tpu.enqueue_indirect_dma source(%arg12 : memref<64x128xf32, #tpu.memory_space<vmem>>) target(%dma_start3A_15 : memref<5120x128xf32, #tpu.memory_space<hbm>>) offsets(%arg9 : memref<64xi32, #tpu.memory_space<vmem>>) semaphore(%arg13 : memref<!tpu.dma_semaphore, #tpu.memory_space<semaphore_mem>>)
    %dma_wait3A_16 = arith.constant 0 : i32
    %dma_wait3A_17 = arith.constant 0 : i32
    %dma_wait3A_18 = tpu.memref_slice %arg8[%dma_wait3A_16, %dma_wait3A_17] : memref<5120x128xf32, #tpu.memory_space<hbm>> -> memref<5120x128xf32, #tpu.memory_space<hbm>>
    tpu.wait_indirect_dma semaphore(%arg13 : memref<!tpu.dma_semaphore, #tpu.memory_space<semaphore_mem>>) src(%arg12 : memref<64x128xf32, #tpu.memory_space<vmem>>) dst(%dma_wait3A_18 : memref<5120x128xf32, #tpu.memory_space<hbm>>)
    "tpu.region"() ({
      %run_scoped3A = tpu.sem_alloc : memref<!tpu.dma_semaphore, #tpu.memory_space<semaphore_mem>>
      %dma_start3A_25 = arith.constant 0 : i32
      %dma_start3A_26 = tpu.memref_slice %arg6[%mul3A_2, %dma_start3A_25] : memref<2048x128xf32, #tpu.memory_space<hbm>> -> memref<64x128xf32, #tpu.memory_space<hbm>>
      %dma_start3A_27 = arith.constant 0 : i32
      %dma_start3A_28 = tpu.memref_slice %arg6[%mul3A_2, %dma_start3A_27] : memref<2048x128xf32, #tpu.memory_space<hbm>> -> memref<64x128xf32, #tpu.memory_space<hbm>>
      tpu.enqueue_dma source(%dma_start3A_28 : memref<64x128xf32, #tpu.memory_space<hbm>>) target(%arg12 : memref<64x128xf32, #tpu.memory_space<vmem>>) target_semaphore(%run_scoped3A : memref<!tpu.dma_semaphore, #tpu.memory_space<semaphore_mem>>)
      %dma_wait3A_29 = arith.constant 0 : i32
      %dma_wait3A_30 = tpu.memref_slice %arg6[%mul3A_2, %dma_wait3A_29] : memref<2048x128xf32, #tpu.memory_space<hbm>> -> memref<64x128xf32, #tpu.memory_space<hbm>>
      %dma_wait3A_31 = arith.constant 0 : i32
      %dma_wait3A_32 = tpu.memref_slice %arg6[%mul3A_2, %dma_wait3A_31] : memref<2048x128xf32, #tpu.memory_space<hbm>> -> memref<64x128xf32, #tpu.memory_space<hbm>>
      tpu.wait_dma2 semaphore(%run_scoped3A : memref<!tpu.dma_semaphore, #tpu.memory_space<semaphore_mem>>) src(%dma_wait3A_32 : memref<64x128xf32, #tpu.memory_space<hbm>>) dst(%arg12 : memref<64x128xf32, #tpu.memory_space<vmem>>)
      tpu.yield
    }) : () -> ()
    %dma_start3A_19 = arith.constant 0 : i32
    %dma_start3A_20 = arith.constant 0 : i32
    %dma_start3A_21 = tpu.memref_slice %arg8[%dma_start3A_19, %dma_start3A_20] : memref<5120x128xf32, #tpu.memory_space<hbm>> -> memref<5120x128xf32, #tpu.memory_space<hbm>>
    tpu.enqueue_indirect_dma source(%arg12 : memref<64x128xf32, #tpu.memory_space<vmem>>) target(%dma_start3A_21 : memref<5120x128xf32, #tpu.memory_space<hbm>>) offsets(%arg10 : memref<64xi32, #tpu.memory_space<vmem>>) semaphore(%arg13 : memref<!tpu.dma_semaphore, #tpu.memory_space<semaphore_mem>>)
    %dma_wait3A_22 = arith.constant 0 : i32
    %dma_wait3A_23 = arith.constant 0 : i32
    %dma_wait3A_24 = tpu.memref_slice %arg8[%dma_wait3A_22, %dma_wait3A_23] : memref<5120x128xf32, #tpu.memory_space<hbm>> -> memref<5120x128xf32, #tpu.memory_space<hbm>>
    tpu.wait_indirect_dma semaphore(%arg13 : memref<!tpu.dma_semaphore, #tpu.memory_space<semaphore_mem>>) src(%arg12 : memref<64x128xf32, #tpu.memory_space<vmem>>) dst(%dma_wait3A_24 : memref<5120x128xf32, #tpu.memory_space<hbm>>)
    return
  }
}

#map = affine_map<(d0, d1) -> (0)>
#map1 = affine_map<(d0, d1) -> (0, 0)>
module attributes {stable_mosaic.version = 14 : i64} {
  func.func @k(%arg0: i32, %arg1: i32, %arg2: memref<4096xi32, #tpu.memory_space<hbm>>, %arg3: memref<5120x4096xf32, #tpu.memory_space<hbm>>, %arg4: memref<4096x4096xf32, #tpu.memory_space<hbm>>, %arg5: memref<16xi32, #tpu.memory_space<vmem>>, %arg6: memref<16x4096xf32, #tpu.memory_space<vmem>>, %arg7: memref<!tpu.dma_semaphore, #tpu.memory_space<semaphore_mem>>) attributes {dimension_semantics = [#tpu.dimension_semantics<core_parallel>, #tpu.dimension_semantics<subcore_parallel>], iteration_bounds = array<i64: 2, 16>, scalar_prefetch = 0 : i64, scratch_operands = 3 : i64, tpu.core_type = #tpu.core_type<sc_vector_subcore>, window_params = [{transform_indices = #map}, {transform_indices = #map1}, {transform_indices = #map1}]} {
    %mul3A = arith.constant 2 : i32
    %mul3A_0 = arith.muli %arg1, %mul3A : i32
    %add3A = arith.addi %mul3A_0, %arg0 : i32
    %mul3A_1 = arith.constant 128 : i32
    %mul3A_2 = arith.muli %add3A, %mul3A_1 : i32
    %scan3A = arith.constant 0 : i32
    %scan3A_3 = arith.constant 0 : i32
    %scan3A_4 = arith.constant 8 : i32
    %scan3A_5 = arith.addi %scan3A_3, %scan3A_4 : i32
    %scan3A_6 = arith.constant 1 : i32
    scf.for %scan3A_8 = %scan3A_3 to %scan3A_5 step %scan3A_6  : i32 {
      %mul3A_9 = arith.constant 16 : i32
      %mul3A_10 = arith.muli %scan3A_8, %mul3A_9 : i32
      %add3A_11 = arith.addi %mul3A_2, %mul3A_10 : i32
      "tpu.region"() ({
        %run_scoped3A = tpu.sem_alloc : memref<!tpu.dma_semaphore, #tpu.memory_space<semaphore_mem>>
        %dma_start3A_16 = tpu.memref_slice %arg2[%add3A_11] : memref<4096xi32, #tpu.memory_space<hbm>> -> memref<16xi32, #tpu.memory_space<hbm>>
        %dma_start3A_17 = tpu.memref_slice %arg2[%add3A_11] : memref<4096xi32, #tpu.memory_space<hbm>> -> memref<16xi32, #tpu.memory_space<hbm>>
        tpu.enqueue_dma source(%dma_start3A_17 : memref<16xi32, #tpu.memory_space<hbm>>) target(%arg5 : memref<16xi32, #tpu.memory_space<vmem>>) target_semaphore(%run_scoped3A : memref<!tpu.dma_semaphore, #tpu.memory_space<semaphore_mem>>)
        %dma_wait3A_18 = tpu.memref_slice %arg2[%add3A_11] : memref<4096xi32, #tpu.memory_space<hbm>> -> memref<16xi32, #tpu.memory_space<hbm>>
        %dma_wait3A_19 = tpu.memref_slice %arg2[%add3A_11] : memref<4096xi32, #tpu.memory_space<hbm>> -> memref<16xi32, #tpu.memory_space<hbm>>
        tpu.wait_dma2 semaphore(%run_scoped3A : memref<!tpu.dma_semaphore, #tpu.memory_space<semaphore_mem>>) src(%dma_wait3A_19 : memref<16xi32, #tpu.memory_space<hbm>>) dst(%arg5 : memref<16xi32, #tpu.memory_space<vmem>>)
        tpu.yield
      }) : () -> ()
      %dma_start3A = arith.constant 0 : i32
      %dma_start3A_12 = arith.constant 0 : i32
      %dma_start3A_13 = tpu.memref_slice %arg3[%dma_start3A, %dma_start3A_12] : memref<5120x4096xf32, #tpu.memory_space<hbm>> -> memref<5120x4096xf32, #tpu.memory_space<hbm>>
      tpu.enqueue_indirect_dma source(%dma_start3A_13 : memref<5120x4096xf32, #tpu.memory_space<hbm>>) target(%arg6 : memref<16x4096xf32, #tpu.memory_space<vmem>>) offsets(%arg5 : memref<16xi32, #tpu.memory_space<vmem>>) semaphore(%arg7 : memref<!tpu.dma_semaphore, #tpu.memory_space<semaphore_mem>>)
      %dma_wait3A = arith.constant 0 : i32
      %dma_wait3A_14 = arith.constant 0 : i32
      %dma_wait3A_15 = tpu.memref_slice %arg3[%dma_wait3A, %dma_wait3A_14] : memref<5120x4096xf32, #tpu.memory_space<hbm>> -> memref<5120x4096xf32, #tpu.memory_space<hbm>>
      tpu.wait_indirect_dma semaphore(%arg7 : memref<!tpu.dma_semaphore, #tpu.memory_space<semaphore_mem>>) src(%dma_wait3A_15 : memref<5120x4096xf32, #tpu.memory_space<hbm>>) dst(%arg6 : memref<16x4096xf32, #tpu.memory_space<vmem>>)
      "tpu.region"() ({
        %run_scoped3A = tpu.sem_alloc : memref<!tpu.dma_semaphore, #tpu.memory_space<semaphore_mem>>
        %dma_start3A_16 = arith.constant 0 : i32
        %dma_start3A_17 = tpu.memref_slice %arg4[%add3A_11, %dma_start3A_16] : memref<4096x4096xf32, #tpu.memory_space<hbm>> -> memref<16x4096xf32, #tpu.memory_space<hbm>>
        %dma_start3A_18 = arith.constant 0 : i32
        %dma_start3A_19 = tpu.memref_slice %arg4[%add3A_11, %dma_start3A_18] : memref<4096x4096xf32, #tpu.memory_space<hbm>> -> memref<16x4096xf32, #tpu.memory_space<hbm>>
        tpu.enqueue_dma source(%arg6 : memref<16x4096xf32, #tpu.memory_space<vmem>>) target(%dma_start3A_19 : memref<16x4096xf32, #tpu.memory_space<hbm>>) target_semaphore(%run_scoped3A : memref<!tpu.dma_semaphore, #tpu.memory_space<semaphore_mem>>)
        %dma_wait3A_20 = arith.constant 0 : i32
        %dma_wait3A_21 = tpu.memref_slice %arg4[%add3A_11, %dma_wait3A_20] : memref<4096x4096xf32, #tpu.memory_space<hbm>> -> memref<16x4096xf32, #tpu.memory_space<hbm>>
        %dma_wait3A_22 = arith.constant 0 : i32
        %dma_wait3A_23 = tpu.memref_slice %arg4[%add3A_11, %dma_wait3A_22] : memref<4096x4096xf32, #tpu.memory_space<hbm>> -> memref<16x4096xf32, #tpu.memory_space<hbm>>
        tpu.wait_dma2 semaphore(%run_scoped3A : memref<!tpu.dma_semaphore, #tpu.memory_space<semaphore_mem>>) src(%arg6 : memref<16x4096xf32, #tpu.memory_space<vmem>>) dst(%dma_wait3A_23 : memref<16x4096xf32, #tpu.memory_space<hbm>>)
        tpu.yield
      }) : () -> ()
    }
    %scan3A_7 = arith.constant 8 : i32
    return
  }
}

module attributes {stable_mosaic.version = 14 : i64} {
  func.func @_gating_body(%arg0: memref<2048x1024xf32, #tpu.memory_space<vmem>>, %arg1: memref<1024x8xf32, #tpu.memory_space<vmem>>, %arg2: memref<1x8xf32, #tpu.memory_space<vmem>>, %arg3: memref<2048x2xf32, #tpu.memory_space<vmem>>, %arg4: memref<2048x2xi32, #tpu.memory_space<vmem>>) attributes {dimension_semantics = [], scalar_prefetch = 0 : i64, scratch_operands = 0 : i64, tpu.core_type = #tpu.core_type<tc>} {
    %get3A = arith.constant 0 : index
    %get3A_0 = arith.constant 0 : index
    %get3A_1 = vector.load %arg0[%get3A, %get3A_0] : memref<2048x1024xf32, #tpu.memory_space<vmem>>, vector<2048x1024xf32>
    %get3A_2 = arith.constant 0 : index
    %get3A_3 = arith.constant 0 : index
    %get3A_4 = vector.load %arg1[%get3A_2, %get3A_3] : memref<1024x8xf32, #tpu.memory_space<vmem>>, vector<1024x8xf32>
    %dot_general3A = arith.constant dense<0.000000e+00> : vector<2048x8xf32>
    %dot_general3A_5 = tpu.matmul %get3A_1, %get3A_4, %dot_general3A {dimension_numbers = #tpu.dot_dimension_numbers<[1], [0], [0], [1], [0, 0, 1, 1], [], []>, transpose_lhs_hint = false} : vector<2048x1024xf32>, vector<1024x8xf32>, vector<2048x8xf32> -> vector<2048x8xf32>
    %get3A_6 = arith.constant 0 : index
    %get3A_7 = arith.constant 0 : index
    %get3A_8 = vector.load %arg2[%get3A_6, %get3A_7] : memref<1x8xf32, #tpu.memory_space<vmem>>, vector<1x8xf32>
    %add3A = vector.broadcast %get3A_8 : vector<1x8xf32> to vector<2048x8xf32>
    %add3A_9 = arith.addf %dot_general3A_5, %add3A : vector<2048x8xf32>
    %reduce_max3A = arith.constant dense<0xFF800000> : vector<2048xf32>
    %reduce_max3A_10 = vector.multi_reduction <maximumf>, %add3A_9, %reduce_max3A [1] : vector<2048x8xf32> to vector<2048xf32>
    %broadcast_in_dim3A = vector.shape_cast %reduce_max3A_10 : vector<2048xf32> to vector<2048x1xf32>
    %sub3A = vector.broadcast %broadcast_in_dim3A : vector<2048x1xf32> to vector<2048x8xf32>
    %sub3A_11 = arith.subf %add3A_9, %sub3A : vector<2048x8xf32>
    %exp3A = math.exp %sub3A_11 : vector<2048x8xf32>
    %reduce_sum3A = arith.constant dense<0.000000e+00> : vector<2048xf32>
    %reduce_sum3A_12 = vector.multi_reduction <add>, %exp3A, %reduce_sum3A [1] : vector<2048x8xf32> to vector<2048xf32>
    %broadcast_in_dim3A_13 = vector.shape_cast %reduce_sum3A_12 : vector<2048xf32> to vector<2048x1xf32>
    %div3A = vector.broadcast %broadcast_in_dim3A_13 : vector<2048x1xf32> to vector<2048x8xf32>
    %div3A_14 = arith.divf %exp3A, %div3A : vector<2048x8xf32>
    %iota3A = tpu.iota {dimensions = array<i32: 1>} : vector<2048x8xi32>
    %reduce_max3A_15 = arith.constant dense<0xFF800000> : vector<2048xf32>
    %reduce_max3A_16 = vector.multi_reduction <maximumf>, %div3A_14, %reduce_max3A_15 [1] : vector<2048x8xf32> to vector<2048xf32>
    %broadcast_in_dim3A_17 = vector.shape_cast %reduce_max3A_16 : vector<2048xf32> to vector<2048x1xf32>
    %ge3A = vector.broadcast %broadcast_in_dim3A_17 : vector<2048x1xf32> to vector<2048x8xf32>
    %ge3A_18 = arith.cmpf oge, %div3A_14, %ge3A : vector<2048x8xf32>
    %jit3A = arith.constant 8 : i32
    %broadcast_in_dim3A_19 = vector.broadcast %jit3A : i32 to vector<2048x8xi32>
    %select_n3A = arith.select %ge3A_18, %iota3A, %broadcast_in_dim3A_19 : vector<2048x8xi1>, vector<2048x8xi32>
    %reduce_min3A = arith.constant dense<2147483647> : vector<2048xi32>
    %reduce_min3A_20 = vector.multi_reduction <minsi>, %select_n3A, %reduce_min3A [1] : vector<2048x8xi32> to vector<2048xi32>
    %broadcast_in_dim3A_21 = vector.shape_cast %reduce_min3A_20 : vector<2048xi32> to vector<2048x1xi32>
    %eq3A = vector.broadcast %broadcast_in_dim3A_21 : vector<2048x1xi32> to vector<2048x8xi32>
    %eq3A_22 = arith.cmpi eq, %iota3A, %eq3A : vector<2048x8xi32>
    %jit3A_23 = arith.constant -1.000000e+00 : f32
    %broadcast_in_dim3A_24 = vector.broadcast %jit3A_23 : f32 to vector<2048x8xf32>
    %select_n3A_25 = arith.select %eq3A_22, %broadcast_in_dim3A_24, %div3A_14 : vector<2048x8xi1>, vector<2048x8xf32>
    %reduce_max3A_26 = arith.constant dense<0xFF800000> : vector<2048xf32>
    %reduce_max3A_27 = vector.multi_reduction <maximumf>, %select_n3A_25, %reduce_max3A_26 [1] : vector<2048x8xf32> to vector<2048xf32>
    %broadcast_in_dim3A_28 = vector.shape_cast %reduce_max3A_27 : vector<2048xf32> to vector<2048x1xf32>
    %ge3A_29 = vector.broadcast %broadcast_in_dim3A_28 : vector<2048x1xf32> to vector<2048x8xf32>
    %ge3A_30 = arith.cmpf oge, %select_n3A_25, %ge3A_29 : vector<2048x8xf32>
    %jit3A_31 = arith.constant 8 : i32
    %broadcast_in_dim3A_32 = vector.broadcast %jit3A_31 : i32 to vector<2048x8xi32>
    %select_n3A_33 = arith.select %ge3A_30, %iota3A, %broadcast_in_dim3A_32 : vector<2048x8xi1>, vector<2048x8xi32>
    %reduce_min3A_34 = arith.constant dense<2147483647> : vector<2048xi32>
    %reduce_min3A_35 = vector.multi_reduction <minsi>, %select_n3A_33, %reduce_min3A_34 [1] : vector<2048x8xi32> to vector<2048xi32>
    %broadcast_in_dim3A_36 = vector.shape_cast %reduce_min3A_35 : vector<2048xi32> to vector<2048x1xi32>
    %concatenate3A = tpu.concatenate %broadcast_in_dim3A_17, %broadcast_in_dim3A_28 in 1 : vector<2048x1xf32>, vector<2048x1xf32> -> vector<2048x2xf32>
    %swap3A = arith.constant 0 : index
    %swap3A_37 = arith.constant 0 : index
    %swap3A_38 = vector.load %arg3[%swap3A, %swap3A_37] : memref<2048x2xf32, #tpu.memory_space<vmem>>, vector<2048x2xf32>
    tpu.vector_store %arg3[%swap3A, %swap3A_37], %concatenate3A {strides = array<i32>} : memref<2048x2xf32, #tpu.memory_space<vmem>>, vector<2048x2xf32>,
    %concatenate3A_39 = tpu.concatenate %broadcast_in_dim3A_21, %broadcast_in_dim3A_36 in 1 : vector<2048x1xi32>, vector<2048x1xi32> -> vector<2048x2xi32>
    %swap3A_40 = arith.constant 0 : index
    %swap3A_41 = arith.constant 0 : index
    %swap3A_42 = vector.load %arg4[%swap3A_40, %swap3A_41] : memref<2048x2xi32, #tpu.memory_space<vmem>>, vector<2048x2xi32>
    tpu.vector_store %arg4[%swap3A_40, %swap3A_41], %concatenate3A_39 {strides = array<i32>} : memref<2048x2xi32, #tpu.memory_space<vmem>>, vector<2048x2xi32>,
    return
  }
}

module attributes {stable_mosaic.version = 14 : i64} {
  func.func @_mm_body(%arg0: i32, %arg1: i32, %arg2: memref<40xi32, #tpu.memory_space<smem>>, %arg3: memref<1xi32, #tpu.memory_space<smem>>, %arg4: memref<5120x1024xbf16, #tpu.memory_space<any>>, %arg5: memref<1x1024x512xf32, #tpu.memory_space<vmem>>, %arg6: memref<1x1x512xf32, #tpu.memory_space<vmem>>, %arg7: memref<128x128xf32, #tpu.memory_space<vmem>>, %arg8: memref<128x512xf32, #tpu.memory_space<vmem>>, %arg9: memref<5120x1024xbf16, #tpu.memory_space<vmem>>, %arg10: memref<1024x512xbf16, #tpu.memory_space<vmem>>, %arg11: memref<!tpu.dma_semaphore, #tpu.memory_space<semaphore_mem>>) attributes {dimension_semantics = [#tpu.dimension_semantics<arbitrary>, #tpu.dimension_semantics<arbitrary>], iteration_bounds = array<i64: 8, 40>, scalar_prefetch = 2 : i64, scratch_operands = 3 : i64, tpu.core_type = #tpu.core_type<tc>, window_params = [{}, {transform_indices = @transform_1, window_bounds = array<i64: 1, 1024, 512>}, {transform_indices = @transform_2, window_bounds = array<i64: 1, 1, 512>}, {transform_indices = @transform_3, window_bounds = array<i64: 128, 128>}, {transform_indices = @transform_4, window_bounds = array<i64: 128, 512>}]} {
    %eq3A = arith.constant 0 : i32
    %eq3A_0 = arith.cmpi eq, %arg0, %eq3A : i32
    %eq3A_1 = arith.constant 0 : i32
    %eq3A_2 = arith.cmpi eq, %arg1, %eq3A_1 : i32
    %and3A = arith.andi %eq3A_0, %eq3A_2 : i1
    %convert_element_type3A = arith.extui %and3A : i1 to i32
    %cond3A = arith.constant 0 : i32
    %cond3A_3 = arith.cmpi ne, %convert_element_type3A, %cond3A : i32
    scf.if %cond3A_3 {
      tpu.enqueue_dma source(%arg4 : memref<5120x1024xbf16, #tpu.memory_space<any>>) target(%arg9 : memref<5120x1024xbf16, #tpu.memory_space<vmem>>) target_semaphore(%arg11 : memref<!tpu.dma_semaphore, #tpu.memory_space<semaphore_mem>>)
      tpu.wait_dma2 semaphore(%arg11 : memref<!tpu.dma_semaphore, #tpu.memory_space<semaphore_mem>>) src(%arg4 : memref<5120x1024xbf16, #tpu.memory_space<any>>) dst(%arg9 : memref<5120x1024xbf16, #tpu.memory_space<vmem>>)
    } else {
    }
    %eq3A_4 = arith.constant 0 : i32
    %eq3A_5 = arith.cmpi eq, %arg1, %eq3A_4 : i32
    %get3A = arith.index_cast %arg1 : i32 to index
    %get3A_6 = memref.load %arg2[%get3A] : memref<40xi32, #tpu.memory_space<smem>>
    %sub3A = arith.constant 1 : i32
    %sub3A_7 = arith.subi %arg1, %sub3A : i32
    %max3A = arith.constant 0 : i32
    %max3A_8 = arith.maxsi %sub3A_7, %max3A : i32
    %get3A_9 = arith.index_cast %max3A_8 : i32 to index
    %get3A_10 = memref.load %arg2[%get3A_9] : memref<40xi32, #tpu.memory_space<smem>>
    %ne3A = arith.cmpi ne, %get3A_6, %get3A_10 : i32
    %or3A = arith.ori %eq3A_5, %ne3A : i1
    %convert_element_type3A_11 = arith.extui %or3A : i1 to i32
    %cond3A_12 = arith.constant 0 : i32
    %cond3A_13 = arith.cmpi ne, %convert_element_type3A_11, %cond3A_12 : i32
    scf.if %cond3A_13 {
      %get3A_24 = arith.constant 0 : index
      %get3A_25 = arith.constant 0 : index
      %get3A_26 = arith.constant 0 : index
      %get3A_27 = vector.load %arg5[%get3A_24, %get3A_25, %get3A_26] : memref<1x1024x512xf32, #tpu.memory_space<vmem>>, vector<1x1024x512xf32>
      %get3A_28 = vector.shape_cast %get3A_27 : vector<1x1024x512xf32> to vector<1024x512xf32>
      %convert_element_type3A_29 = arith.truncf %get3A_28 : vector<1024x512xf32> to vector<1024x512xbf16>
      %swap3A = arith.constant 0 : index
      %swap3A_30 = arith.constant 0 : index
      %swap3A_31 = vector.load %arg10[%swap3A, %swap3A_30] : memref<1024x512xbf16, #tpu.memory_space<vmem>>, vector<1024x512xbf16>
      tpu.vector_store %arg10[%swap3A, %swap3A_30], %convert_element_type3A_29 {strides = array<i32>} : memref<1024x512xbf16, #tpu.memory_space<vmem>>, vector<1024x512xbf16>,
    } else {
    }
    %get3A_14 = arith.constant 0 : index
    %get3A_15 = memref.load %arg3[%get3A_14] : memref<1xi32, #tpu.memory_space<smem>>
    %lt3A = arith.cmpi slt, %arg1, %get3A_15 : i32
    %convert_element_type3A_16 = arith.extui %lt3A : i1 to i32
    %cond3A_17 = arith.constant 0 : i32
    %cond3A_18 = arith.cmpi ne, %convert_element_type3A_16, %cond3A_17 : i32
    scf.if %cond3A_18 {
      %mul3A = arith.constant 128 : i32
      %mul3A_24 = arith.muli %arg1, %mul3A : i32
      %get3A_25 = arith.index_cast %mul3A_24 : i32 to index
      %get3A_26 = arith.constant 0 : index
      %get3A_27 = vector.load %arg9[%get3A_25, %get3A_26] : memref<5120x1024xbf16, #tpu.memory_space<vmem>>, vector<128x1024xbf16>
      %get3A_28 = arith.constant 0 : index
      %get3A_29 = arith.constant 0 : index
      %get3A_30 = vector.load %arg10[%get3A_28, %get3A_29] : memref<1024x512xbf16, #tpu.memory_space<vmem>>, vector<1024x512xbf16>
      %dot_general3A = arith.constant dense<0.000000e+00> : vector<128x512xf32>
      %dot_general3A_31 = tpu.matmul %get3A_27, %get3A_30, %dot_general3A {dimension_numbers = #tpu.dot_dimension_numbers<[1], [0], [0], [1], [0, 0, 1, 1], [], []>, transpose_lhs_hint = false} : vector<128x1024xbf16>, vector<1024x512xbf16>, vector<128x512xf32> -> vector<128x512xf32>
      %get3A_32 = arith.constant 0 : index
      %get3A_33 = arith.constant 0 : index
      %get3A_34 = arith.constant 0 : index
      %get3A_35 = vector.load %arg6[%get3A_32, %get3A_33, %get3A_34] : memref<1x1x512xf32, #tpu.memory_space<vmem>>, vector<1x1x512xf32>
      %get3A_36 = vector.shape_cast %get3A_35 : vector<1x1x512xf32> to vector<1x512xf32>
      %add3A = vector.broadcast %get3A_36 : vector<1x512xf32> to vector<128x512xf32>
      %add3A_37 = arith.addf %dot_general3A_31, %add3A : vector<128x512xf32>
      %get3A_38 = arith.constant 0 : index
      %get3A_39 = arith.constant 0 : index
      %get3A_40 = vector.load %arg7[%get3A_38, %get3A_39] : memref<128x128xf32, #tpu.memory_space<vmem>>, vector<128x1xf32>
      %mul3A_41 = vector.broadcast %get3A_40 : vector<128x1xf32> to vector<128x512xf32>
      %mul3A_42 = arith.mulf %add3A_37, %mul3A_41 : vector<128x512xf32>
      %swap3A = arith.constant 0 : index
      %swap3A_43 = arith.constant 0 : index
      %swap3A_44 = vector.load %arg8[%swap3A, %swap3A_43] : memref<128x512xf32, #tpu.memory_space<vmem>>, vector<128x512xf32>
      tpu.vector_store %arg8[%swap3A, %swap3A_43], %mul3A_42 {strides = array<i32>} : memref<128x512xf32, #tpu.memory_space<vmem>>, vector<128x512xf32>,
    } else {
    }
    %get3A_19 = arith.constant 0 : index
    %get3A_20 = memref.load %arg3[%get3A_19] : memref<1xi32, #tpu.memory_space<smem>>
    %ge3A = arith.cmpi sge, %arg1, %get3A_20 : i32
    %convert_element_type3A_21 = arith.extui %ge3A : i1 to i32
    %cond3A_22 = arith.constant 0 : i32
    %cond3A_23 = arith.cmpi ne, %convert_element_type3A_21, %cond3A_22 : i32
    scf.if %cond3A_23 {
      %broadcast_in_dim3A = arith.constant 0.000000e+00 : f32
      %broadcast_in_dim3A_24 = vector.broadcast %broadcast_in_dim3A : f32 to vector<128x512xf32>
      %swap3A = arith.constant 0 : index
      %swap3A_25 = arith.constant 0 : index
      %swap3A_26 = vector.load %arg8[%swap3A, %swap3A_25] : memref<128x512xf32, #tpu.memory_space<vmem>>, vector<128x512xf32>
      tpu.vector_store %arg8[%swap3A, %swap3A_25], %broadcast_in_dim3A_24 {strides = array<i32>} : memref<128x512xf32, #tpu.memory_space<vmem>>, vector<128x512xf32>,
    } else {
    }
    return
  }
  func.func @transform_1(%arg0: i32, %arg1: i32, %arg2: memref<40xi32, #tpu.memory_space<smem>>, %arg3: memref<1xi32, #tpu.memory_space<smem>>) -> (i32, i32, i32) {
    %get3A = arith.index_cast %arg1 : i32 to index
    %get3A_0 = memref.load %arg2[%get3A] : memref<40xi32, #tpu.memory_space<smem>>
    %c0_i32 = arith.constant 0 : i32
    %c0_i32_1 = arith.constant 0 : i32
    return %get3A_0, %c0_i32, %arg0 : i32, i32, i32
  }
  func.func @transform_2(%arg0: i32, %arg1: i32, %arg2: memref<40xi32, #tpu.memory_space<smem>>, %arg3: memref<1xi32, #tpu.memory_space<smem>>) -> (i32, i32, i32) {
    %get3A = arith.index_cast %arg1 : i32 to index
    %get3A_0 = memref.load %arg2[%get3A] : memref<40xi32, #tpu.memory_space<smem>>
    %c0_i32 = arith.constant 0 : i32
    %c0_i32_1 = arith.constant 0 : i32
    return %get3A_0, %c0_i32, %arg0 : i32, i32, i32
  }
  func.func @transform_3(%arg0: i32, %arg1: i32, %arg2: memref<40xi32, #tpu.memory_space<smem>>, %arg3: memref<1xi32, #tpu.memory_space<smem>>) -> (i32, i32) {
    %c0_i32 = arith.constant 0 : i32
    %c0_i32_0 = arith.constant 0 : i32
    return %arg1, %c0_i32 : i32, i32
  }
  func.func @transform_4(%arg0: i32, %arg1: i32, %arg2: memref<40xi32, #tpu.memory_space<smem>>, %arg3: memref<1xi32, #tpu.memory_space<smem>>) -> (i32, i32) {
    %c0_i32 = arith.constant 0 : i32
    return %arg1, %arg0 : i32, i32
  }
}

module attributes {stable_mosaic.version = 14 : i64} {
  func.func @_combine_body(%arg0: i32, %arg1: memref<1x256x4096xf32, #tpu.memory_space<vmem>>, %arg2: memref<1x256x4096xf32, #tpu.memory_space<vmem>>, %arg3: memref<256x4096xf32, #tpu.memory_space<vmem>>) attributes {dimension_semantics = [#tpu.dimension_semantics<arbitrary>], iteration_bounds = array<i64: 8>, scalar_prefetch = 0 : i64, scratch_operands = 0 : i64, tpu.core_type = #tpu.core_type<tc>, window_params = [{transform_indices = @transform_0, window_bounds = array<i64: 1, 256, 4096>}, {transform_indices = @transform_1, window_bounds = array<i64: 1, 256, 4096>}, {transform_indices = @transform_2, window_bounds = array<i64: 256, 4096>}]} {
    %get3A = arith.constant 0 : index
    %get3A_0 = arith.constant 0 : index
    %get3A_1 = arith.constant 0 : index
    %get3A_2 = vector.load %arg1[%get3A, %get3A_0, %get3A_1] : memref<1x256x4096xf32, #tpu.memory_space<vmem>>, vector<1x256x4096xf32>
    %get3A_3 = vector.shape_cast %get3A_2 : vector<1x256x4096xf32> to vector<256x4096xf32>
    %get3A_4 = arith.constant 0 : index
    %get3A_5 = arith.constant 0 : index
    %get3A_6 = arith.constant 0 : index
    %get3A_7 = vector.load %arg2[%get3A_4, %get3A_5, %get3A_6] : memref<1x256x4096xf32, #tpu.memory_space<vmem>>, vector<1x256x4096xf32>
    %get3A_8 = vector.shape_cast %get3A_7 : vector<1x256x4096xf32> to vector<256x4096xf32>
    %add3A = arith.addf %get3A_3, %get3A_8 : vector<256x4096xf32>
    %swap3A = arith.constant 0 : index
    %swap3A_9 = arith.constant 0 : index
    %swap3A_10 = vector.load %arg3[%swap3A, %swap3A_9] : memref<256x4096xf32, #tpu.memory_space<vmem>>, vector<256x4096xf32>
    tpu.vector_store %arg3[%swap3A, %swap3A_9], %add3A {strides = array<i32>} : memref<256x4096xf32, #tpu.memory_space<vmem>>, vector<256x4096xf32>,
    return
  }
  func.func @transform_0(%arg0: i32) -> (i32, i32, i32) {
    %c0_i32 = arith.constant 0 : i32
    %c0_i32_0 = arith.constant 0 : i32
    %c0_i32_1 = arith.constant 0 : i32
    return %c0_i32, %arg0, %c0_i32_0 : i32, i32, i32
  }
  func.func @transform_1(%arg0: i32) -> (i32, i32, i32) {
    %c1_i32 = arith.constant 1 : i32
    %c0_i32 = arith.constant 0 : i32
    %c0_i32_0 = arith.constant 0 : i32
    return %c1_i32, %arg0, %c0_i32 : i32, i32, i32
  }
  func.func @transform_2(%arg0: i32) -> (i32, i32) {
    %c0_i32 = arith.constant 0 : i32
    %c0_i32_0 = arith.constant 0 : i32
    return %arg0, %c0_i32 : i32, i32
  }
}

</mosaic_0001>

<sc_bundles>
// kernel: gather_offload_async_start
scs
__scs_entry_jumppad:
0x0: {  	(pc) =	sbr.rel $0x88, $3  }
0x1: {  	(tag) =	ssettag $0x0;
	lr =	simm.s32 $0x1  }
0x2: {  	[smem:$0x3F9C] =	sst lr;
	_ =	strace $0xD0000000  }
0x3: {  	_ = 	snop  }
0x4: {  	_ = 	snop  }
0x5: {  	_ = 	snop  }
0x6: {  	_ = 	snop  }
0x7: {  	_ = 	snop  }
__scs_overlays_trampoline_lowered:
0x8: {  	[smem:$0x3FAB] =	sst s0  }
0x9: {  	[smem:$0x3FAC] =	sst s1  }
0xa: {  	[smem:$0x3FAD] =	sst s2  }
0xb: {  	[smem:$0x3FAE] =	sst s3  }
0xc: {  	[smem:$0x3FAF] =	sst s4  }
0xd: {  	[smem:$0x3FB0] =	sst s5  }
0xe: {  	[smem:$0x3FB1] =	sst s6  }
0xf: {  	[smem:$0x3FB2] =	sst s7  }
0x10: {  	[smem:$0x3FB3] =	sst s8  }
0x11: {  	[smem:$0x3FB4] =	sst s9;
	s0 =	simm.s32 @!p0 $0x0  }
0x12: {  	s1 =	sld [smem:$0x3F9A];
	s0 =	simm.s32 @p0 $0x1  }
0x13: {  	[smem:$0x3FB5] =	sst s0;
	s0 =	simm.s32 @!p1 $0x0  }
0x14: {  	s2 =	sld [smem:$0x3F99];
	s0 =	simm.s32 @p1 $0x1  }
0x15: {  	[smem:$0x3FB6] =	sst s0;
	s0 =	simm.s32 @!p2 $0x0  }
0x16: {  	s3 =	sld [smem:$0x3FDB];
	s0 =	simm.s32 @p2 $0x1  }
0x17: {  	s4 =	simm.s32 $0x1BF5;
	[smem:$0x3FB8] =	sst s0  }
0x18: {  	s0 =	sld [smem:$0x3F9B];
	_ =	swait.ge [sflag:s4], $0x0  }
0x19: {  	s7 =	sld [smem:$0x3F9C]  }
0x1a: {  	s8 =	sadd.s32 $0xFFFFE003, lr  }
0x1b: {  	s9 =	sadd.s32 $0xFFFFFEF7, lr;
	s5 =	simm.s32 $0xFFFFFFFF;
	p2 =	slt.u32 s8, $0xFFFFF086  }
0x1c: {  	p1 =	slt.u32 s9, $0xF7A;
	s5 =	simm.s32 @!p2 $0x0  }
0x1d: {  	s5 =	simm.s32 @p1 $0x1;
	p0 =	seq.s32 s7, s2  }
0x1e: {  	s7 =	smul.u32 @!p0 $0xF7A, s2;
	p2 =	seq.s32 @!p0 s5, $0x0  }
0x1f: {  	s9 =	smul.u32 $0xF7A, s1;
	s8 =	simm.s32 @!p0 $0x1BF5;
	p2 =	por !p2, p0  }
0x20: {  	[sflag:s8] =	ssyncset.s32 @!p0 $0xFFFFF086;
	s6 =	sadd.s32 @!p0 s3, s7;
	s7 =	simm.s32 @!p0 $0x108  }
0x21: {  	s3 =	sadd.s32 s3, s9;
	s6 =	sadd.s32 @!p0 $0x88, s6;
	s7 =	simm.s32 @p2 $0x1082  }
0x22: {  	[simem:s7], [sflag:s8] =	dma.local @!p0 [hbm:s6], $0xF7A  }
0x23: {  	s9 =	sor.u32 $0xD0000000, s2;
	s6 =	simm.s32 $0x108;
	_ =	swait.ge @!p0 [sflag:s8], $0x0  }
0x24: {  	s3 =	sadd.s32 $0x88, s3;
	s6 =	simm.s32 @!p1 $0x1082;
	[sflag:s4] =	ssyncset.s32 $0xFFFFF086  }
0x25: {  	[simem:s6], [sflag:s4] =	dma.local [hbm:s3], $0xF7A  }
0x26: {  	[smem:$0x3F9C] =	sst s1;
	(tag) =	ssettag s2;
	_ =	strace s9  }
0x27: {  	s1 =	sld [smem:$0x3FAC]  }
0x28: {  	s2 =	sld [smem:$0x3FAD]  }
0x29: {  	s4 =	sld [smem:$0x3FAF]  }
0x2a: {  	p0 =	seq.s32 s5, $0x0;
	s5 =	sld [smem:$0x3FB0]  }
0x2b: {  	s6 =	sld [smem:$0x3FB1]  }
0x2c: {  	s7 =	sld [smem:$0x3FB2]  }
0x2d: {  	s3 =	simm.s32 $0x108;
	s8 =	sld [smem:$0x3FB3]  }
0x2e: {  	s3 =	simm.s32 @!p0 $0x1082;
	s9 =	sld [smem:$0x3FB4]  }
0x2f: {  	lr =	sadd.s32 s0, s3;
	s0 =	sld [smem:$0x3FAB]  }
0x30: {  	s3 =	sld [smem:$0x3FAE]  }
0x31: {  	[smem:$0x3FB7] =	sst s10  }
0x32: {  	s10 =	sld [smem:$0x3FB5];
	_ =	sdelay $0x3  }
0x33: {  	p0 =	seq.s32 s10, $0x1;
	s10 =	sld [smem:$0x3FB7];
	_ =	sdelay $0x3  }
0x34: {  	[smem:$0x3FB7] =	sst s10  }
0x35: {  	s10 =	sld [smem:$0x3FB6];
	_ =	sdelay $0x3  }
0x36: {  	p1 =	seq.s32 s10, $0x1;
	s10 =	sld [smem:$0x3FB7];
	_ =	sdelay $0x3  }
0x37: {  	[smem:$0x3FB7] =	sst s10  }
0x38: {  	s10 =	sld [smem:$0x3FB8]  }
0x39: {  	_ = 	snop;
	(pc) =	sbr.ind lr, $3  }
0x3a: {  	_ = 	snop  }
0x3b: {  	_ = 	snop  }
0x3c: {  	p2 =	seq.s32 s10, $0x1;
	s10 =	sld [smem:$0x3FB7]  }
0x3d: {  	_ =	shalt  }
0x3e: {  	_ =	shalt  }
0x3f: {  	_ =	shalt  }
0x40: {  	_ =	shalt  }
0x41: {  	_ =	shalt  }
0x42: {  	_ =	shalt  }
0x43: {  	_ =	shalt  }
0x44: {  	_ =	shalt  }
0x45: {  	_ =	shalt  }
0x46: {  	_ =	shalt  }
0x47: {  	_ =	shalt  }
0x48: {  	_ =	shalt  }
0x49: {  	_ =	shalt  }
0x4a: {  	_ =	shalt  }
0x4b: {  	_ =	shalt  }
0x4c: {  	_ =	shalt  }
0x4d: {  	_ =	shalt  }
0x4e: {  	_ =	shalt  }
0x4f: {  	_ =	shalt  }
0x50: {  	_ =	shalt  }
0x51: {  	_ =	shalt  }
0x52: {  	_ =	shalt  }
0x53: {  	_ =	shalt  }
0x54: {  	_ =	shalt  }
0x55: {  	_ =	shalt  }
0x56: {  	_ =	shalt  }
0x57: {  	_ =	shalt  }
0x58: {  	_ =	shalt  }
0x59: {  	_ =	shalt  }
0x5a: {  	_ =	shalt  }
0x5b: {  	_ =	shalt  }
0x5c: {  	_ =	shalt  }
0x5d: {  	_ =	shalt  }
0x5e: {  	_ =	shalt  }
0x5f: {  	_ =	shalt  }
0x60: {  	_ =	shalt  }
0x61: {  	_ =	shalt  }
0x62: {  	_ =	shalt  }
0x63: {  	_ =	shalt  }
0x64: {  	_ =	shalt  }
0x65: {  	_ =	shalt  }
0x66: {  	_ =	shalt  }
0x67: {  	_ =	shalt  }
0x68: {  	_ =	shalt  }
0x69: {  	_ =	shalt  }
0x6a: {  	_ =	shalt  }
0x6b: {  	_ =	shalt  }
0x6c: {  	_ =	shalt  }
0x6d: {  	_ =	shalt  }
0x6e: {  	_ =	shalt  }
0x6f: {  	_ =	shalt  }
0x70: {  	_ =	shalt  }
0x71: {  	_ =	shalt  }
0x72: {  	_ =	shalt  }
0x73: {  	_ =	shalt  }
0x74: {  	_ =	shalt  }
0x75: {  	_ =	shalt  }
0x76: {  	_ =	shalt  }
0x77: {  	_ =	shalt  }
0x78: {  	_ =	shalt  }
0x79: {  	_ =	shalt  }
0x7a: {  	_ =	shalt  }
0x7b: {  	_ =	shalt  }
0x7c: {  	_ =	shalt  }
0x7d: {  	_ =	shalt  }
0x7e: {  	_ =	shalt  }
0x7f: {  	_ =	shalt  }
0x80: {  	_ =	shalt  }
0x81: {  	_ =	shalt  }
0x82: {  	_ =	shalt  }
0x83: {  	_ =	shalt  }
0x84: {  	_ =	shalt  }
0x85: {  	_ =	shalt  }
0x86: {  	_ =	shalt  }
0x87: {  	_ =	shalt  }
.Lfunc_end0:
.L_simem_size_0:
called_computation_lowered:
.L_overlay_start_0:
0x88: {  	s2 =	sld [smem:$0x3FD9]  }
0x89: {  	s3 =	sld [smem:$0x3FFE];
	_ =	sdelay $0x1  }
0x8a: {  	s1 =	srdreg.scid  }
0x8b: {  	s0 =	sand.u32 $0x1, s1  }
0x8c: {  	s17 =	sshll.u32 s0, $0xA;
	s2 =	sadd.s32 s3, s2  }
0x8d: {  	s2 =	sadd.s32 s2, s17  }
0x8e: {  	[smem:$0x3FC3] =	sst s2  }
0x8f: {  	_ = 	snop  }
0x90: {  	s2 =	sld [smem:$0x3FD0];
	(tm) =	ssettm $0x1  }
0x91: {  	s18 =	sld [smem:$0x3FFB];
	_ =	sdelay $0x3  }
0x92: {  	_ =	strace s18  }
0x93: {  	s3 =	sld [smem:$0x3FFC];
	_ =	sdelay $0x3  }
0x94: {  	_ =	strace s3  }
0x95: {  	s3 =	sld [smem:$0x3FFD];
	_ =	sdelay $0x3  }
0x96: {  	_ =	strace s3  }
0x97: {  	_ =	strace $0x8FFFFFFF  }
0x98: {  	s19 =	sld [smem:$0x3FDB];
	_ =	sdelay $0x1  }
0x99: {  	s4 =	simm.s32 $_scs_section_size  }
0x9a: {  	s5 =	simm.s32 $_size__tile_overlayer_lowered;
	s6 =	simm.s32 $_tile_overlayer_lowered  }
0x9b: {  	s22 =	simm.s32 $0x1BFF;
	s21 =	sshll.u32 s6, $0x1;
	s3 =	sadd.s32 s4, s19  }
0x9c: {  	s7 =	simm.s32 $0x0;
	s20 =	sshll.u32 s5, $0x1;
	s5 =	sadd.s32 s21, s3  }
0x9d: {  	[timem:s7], [sflag:s22] =	dma.local [hbm:s5], s20  }
0x9e: {  	_ =	swait.ge [sflag:s22], s20  }
0x9f: {  	s4 =	ssub.s32 $0x0, s20;
	[sflag:s22] =	ssyncset.done $0x0  }
0xa0: {  	[sflag:s22] =	ssyncadd.s32 s4;
	_ =	sdelay $0x1  }
0xa1: {  	s23 =	simm.s32 $0x1B8B  }
0xa2: {  	_ =	swait.ge [sflag:s23], $0x1  }
0xa3: {  	[sflag:s23] =	ssyncset.done $0x0  }
0xa4: {  	s25 =	simm.s32 $0x1B8E;
	s24 =	sld [smem:$0x3FFE];
	[sflag:s23] =	ssyncadd.s32 $0xFFFFFFFF  }
0xa5: {  	s26 =	simm.s32 $execute0_lowered;
	[smem:$0x3FD2] =	sst s25  }
0xa6: {  	s5 =	sshll.u32 s26, $0x1;
	_ =	strace $0x80000046;
	[dreg:$0x1] =	wrdreg $0xFFFFFFFF  }
0xa7: {  	s28 =	simm.s32 $_size_execute0_lowered;
	s3 =	sadd.s32 s3, s5;
	[dreg:$0x0] =	wrdreg $0x0  }
0xa8: {  	s5 =	sshll.u32 s28, $0x1;
	[dreg:$0x2] =	wrdreg s3  }
0xa9: {  	[dreg:$0x3] =	wrdreg s5  }
0xaa: {  	[dreg:$0x4] =	wrdreg $0xC0  }
0xab: {  	_ =	task [dreg:s7], $0x5FFFF  }
0xac: {  	[dreg:$0x1] =	wrdreg $0xFFFFFFFF  }
0xad: {  	[dreg:$0x0] =	wrdreg $0x60  }
0xae: {  	[dreg:$0x2] =	wrdreg s2  }
0xaf: {  	[dreg:$0x3] =	wrdreg s24  }
0xb0: {  	[dreg:$0x4] =	wrdreg $0x9  }
0xb1: {  	_ =	task.clear_ibuf [dreg:s7], $0x5FFFF;
	_ =	strace $0x90000046  }
0xb2: {  	s29 =	simm.s32 $0x9;
	_ =	strace $0x80000048  }
0xb3: {  	_ =	swait.ge [sflag:s29], $0x1  }
0xb4: {  	[sflag:s29] =	ssyncadd.s32 $0xFFFFFFFF  }
0xb5: {  	_ =	strace $0x90000048  }
0xb6: {  	_ =	sfence  }
0xb7: {  	s30 =	sld [smem:$0x0];
	_ =	sdelay $0x2  }
0xb8: {  	s31 =	sshll.u32 s1, $0xD;
	s1 =	sshrl.u32 s1, $0x2  }
0xb9: {  	s3 =	sand.u32 $0x4000, s31;
	s1 =	sadd.s32 s1, s30  }
0xba: {  	s0 =	sor.u32 s3, s0;
	s1 =	sshll.u32 s1, $0x11  }
0xbb: {  	s0 =	sor.u32 s1, s0  }
0xbc: {  	s0 =	sadd.s32 $0x8F2B, s0  }
0xbd: {  	[sflag:s0] =	ssyncadd.remote.s32 $0x1  }
0xbe: {  	_ =	sfence.sel $0xFFFF  }
0xbf: {  	[dreg:$0x0] =	wrdreg $0xFFFFFFFF;
	(pc) =	sbr.abs _section_cstart, $3  }
0xc0: {  	[dreg:$0x1] =	wrdreg $0xFFFFFFFF  }
0xc1: {  	_ =	task.clear_ibuf [dreg:s7], $0x2FFFF;
	_ =	strace $0x9FFFFFFF  }
0xc2: {  	(tm) =	ssettm $0x7FFFFFFF  }
0xc3: {  	_ =	shalt  }
tec
execute0_lowered:
.L_overlay_start_1:
0x0: {  	(tag) =	ssettag $0x1  }
0x1: {  	s1 =	srdreg.scid;
	s2 =	rddreg [dreg:$0x0]  }
0x2: {  	s0 =	stileid.u32;
	s3 =	rddreg [dreg:$0x1]  }
0x3: {  	s6 =	simm.s32 $0x1;
	s9 =	simm.s32 $0x1;
	s1 =	sshll.u32 s1, $0x6  }
0x4: {  	s10 =	simm.s32 $0x3;
	s4 =	sshll.u32 s0, $0x7;
	s5 =	sand.u32 $0x40, s1  }
0x5: {  	s13 =	simm.s32 $0x0;
	s12 =	simm.s32 $0x0;
	s4 =	sor.u32 s4, s5  }
0x6: {  	s1 =	rddreg [dreg:$0x2];
	_ =	strace $0x80000047;
	s8 =	ssub.s32 $0x1000, s4  }
.Ltmp0:
0x7: {  	s5 =	sadd.s32 $0x200, s3;
	s7 =	sand.u32 $0x7C0, s8;
	(pc) =	sbr.rel .LBB2_1-.Ltmp0, $4  }
0x8: {  	[sflag:s6] =	ssyncpa.u1 $0x0;
	s11 =	smov.u32 s4;
	p0 =	sne.s32 s7, $0x0  }
0x9: {  	s8 =	sshrl.u32 s8, $0xB;
	s7 =	simm.s32 $0x2;
	s9 =	simm.s32 @!p0 $0x0  }
0xa: {  	[sflag:s7] =	ssyncpa.u1 $0x0;
	p0 =	por $0x0, $0x0;
	s8 =	sadd.s32 s9, s8  }
0xb: {  	vm0 =	vmmov $0xffff;
	[sflag:s10] =	ssyncpa.u1 $0x0;
	s10 =	simm.s32 $0x0;
	s9 =	sadd.s32 $0x1, s8  }
.LBB2_4:
0xc: {  	v5 =	vshrl.u32 v1, $0xC;
	v6 =	vshll.u32 v1, $0x7  }
0xd: {  	vm1 =	veq.s32 v1, $0x80000000;
	v58 =	vand.u32 $0x7, v5;
	v59 =	vand.u32 $0x7FF80, v6  }
0xe: {  	v1 =	vsel vm1, $0xFFFFFFFF, v58;
	v5 =	vsel vm1, $0xFFFFFF80, v59  }
0xf: {  	v3 =	vor.u32 v4, v3;
	v60 =	vand.u32 $0xFFFFFC00, v5;
	v61 =	vand.u32 $0xFFFFFC00, v1  }
0x10: {  	v2 =	vor.u32 v2, v3;
	v63 =	vand.u32 $0x380, v5;
	v62 =	vadd.s32 v61, v60  }
0x11: {  	v1 =	vand.u32 $0x7F, v1;
	v3 =	vor.u32 v63, v62  }
0x12: {  	v1 =	vor.u32 v1, v3  }
0x13: {  	[tilespmem:s15], [sflag:$0x1] =	stream.indirect_vreg.gather [hbm4b:s2+s10], $0x1, v0, vm0, $0x4038;
	[tilespmem:$0x100] =	vst v63  }
0x14: {  	(ifvalue) =	ssetifvalue $0x7FFFFFFF  }
0x15: {  	[tilespmem:s16], [sflag:$0x1] =	stream.indirect_vreg.gather [hbm4b:s2+s10], $0x1, v2, vm0, $0x4038;
	[tilespmem:$0x100] =	vst v63  }
0x16: {  	s29 =	sadd.s32 $0x10, s16;
	(ifvalue) =	ssetifvalue $0x7FFFFFFF  }
0x17: {  	[tilespmem:s29], [sflag:$0x1] =	stream.indirect_vreg.gather [hbm4b:s2+s10], $0x1, v1, vm0, $0x4038;
	[tilespmem:$0x100] =	vst v63  }
0x18: {  	_ =	swait.ge [sflag:s6], $0x40  }
0x19: {  	s30 =	sshrl.u32 s13, $0x3;
	[sflag:s6] =	ssyncset.done $0x0  }
0x1a: {  	s31 =	sand.u32 $0x7, s13;
	s15 =	sadd.s32 s5, s30;
	[sflag:s6] =	ssyncadd.s32 $0xFFFFFFC0  }
0x1b: {  	[hbm4b:s15+s31] =	stream.linear.scatter [tilespmem:s14], [sflag:$0x3], $0x40, $0x38;
	[tilespmem:$0x100] =	vst v63  }
.LBB2_5:
0x1c: {  	s15 =	sadd.s32 $0x800, s11  }
0x1d: {  	p2 =	sgt.s32 s15, $0xFFF  }
0x1e: {  	s15 =	smov.u32 @p2 s4;
	p2 =	sne.s32 s12, s9  }
.Ltmp1:
0x1f: {  	p1 =	slt.u32 s12, $0x2;
	(pc) =	sbr.rel @!p2 .LBB2_6-.Ltmp1, $4  }
0x20: {  	s14 =	simm.s32 @!p1 $0x3  }
0x21: {  	s16 =	sadd.s32 $0x1, s12;
	_ =	swait.ge @!p1 [sflag:s14], $0x40  }
0x22: {  	s13 =	smov.u32 s11;
	p0 =	por !p0, !p0;
	[sflag:s14] =	ssyncset.done @!p1 $0x0  }
0x23: {  	s12 =	smov.u32 s16;
	s11 =	smov.u32 s15;
	[sflag:s14] =	ssyncadd.s32 @!p1 $0xFFFFFFC0  }
.LBB2_1:
0x24: {  	p1 =	sge.u32 s12, s8  }
0x25: {  	s14 =	sxor.u32 @!p1 $0xFFFFFFFF, s12  }
0x26: {  	s31 =	sadd.s32 $0xFFFFFFFF, s12;
	s15 =	sshrl.u32 @!p1 s11, $0x3;
	s14 =	sshll.u32 @!p1 s14, $0x6  }
0x27: {  	s16 =	sand.u32 @!p1 $0x7, s11;
	s15 =	sadd.s32 @!p1 s3, s15;
	s14 =	sand.u32 @!p1 $0x40, s14  }
0x28: {  	[tilespmem:s14], [sflag:$0x2] =	stream.linear.gather @!p1 [hbm4b:s15+s16], $0x40, $0x38;
	[tilespmem:$0x100] =	vst v63  }
0x29: {  	p1 =	sge.u32 s31, s8  }
.Ltmp2:
0x2a: {  	_ = 	snop;
	(pc) =	sbr.rel @p1 .LBB2_5-.Ltmp2, $1  }
0x2b: {  	_ =	sdelay $0x3  }
0x2c: {  	s14 =	simm.s32 $0x1  }
0x2d: {  	_ =	swait.ge [sflag:s7], $0x40;
	s14 =	simm.s32 @!p0 $0x0  }
0x2e: {  	[sflag:s7] =	ssyncset.done $0x0;
	s14 =	sshll.u32 s14, $0x6  }
0x2f: {  	[sflag:s7] =	ssyncadd.s32 $0xFFFFFFC0;
	(ifvalue) =	ssetifvalue $0x7FFFFFFF;
	v0 =	vld.msk [tilespmem:s14+$0x0 ss:$0x1], $0xffff;
	_ =	sdelay $0x4  }
0x30: {  	s15 =	sadd.s32 $0x10, s14;
	v2 =	vshrl.u32 v0, $0xC;
	v3 =	vshll.u32 v0, $0x7  }
0x31: {  	v1 =	vld.msk [tilespmem:s15+$0x0 ss:$0x1], $0xffff;
	vm1 =	veq.s32 v0, $0x80000000;
	v0 =	vand.u32 $0x7, v2;
	v2 =	vand.u32 $0x7FF80, v3  }
0x32: {  	v0 =	vsel vm1, $0xFFFFFFFF, v0;
	v2 =	vsel vm1, $0xFFFFFF80, v2  }
0x33: {  	v3 =	vand.u32 $0xFFFFFC00, v2;
	v4 =	vand.u32 $0xFFFFFC00, v0  }
0x34: {  	v2 =	vand.u32 $0x380, v2;
	v3 =	vadd.s32 v4, v3  }
0x35: {  	v0 =	vand.u32 $0x7F, v0;
	v2 =	vor.u32 v2, v3  }
0x36: {  	v5 =	vshll.u32 v1, $0x7;
	v4 =	vshrl.u32 v1, $0xC;
	v0 =	vor.u32 v0, v2  }
0x37: {  	s16 =	sshll.u32 s12, $0x6;
	vm1 =	veq.s32 v1, $0x80000000;
	v1 =	vand.u32 $0x7, v4;
	v4 =	vand.u32 $0x7FF80, v5  }
0x38: {  	s16 =	sand.u32 $0x40, s16;
	s18 =	sadd.s32 $0x10, s15;
	v3 =	vsel vm1, $0xFFFFFFFF, v1;
	v4 =	vsel vm1, $0xFFFFFF80, v4  }
0x39: {  	s17 =	simm.s32 $0x20;
	s15 =	sor.u32 $0x80, s14;
	s14 =	sor.u32 $0x80, s16;
	v1 =	vld.msk [tilespmem:s18+$0x0 ss:$0x1], $0xffff;
	v5 =	vand.u32 $0xFFFFFC00, v4;
	v6 =	vand.u32 $0xFFFFFC00, v3  }
0x3a: {  	s16 =	sadd.s32 $0x10, s15;
	s18 =	sadd.s32 $0x10, s18;
	(ifvalue) =	ssetifvalue $0x7FFFFFFF;
	v2 =	vand.u32 $0x7F, v3;
	v4 =	vand.u32 $0x380, v4;
	v3 =	vadd.s32 v6, v5  }
.LBB2_3:
0x3b: {  	[tilespmem:s15], [sflag:$0x1] =	stream.indirect_vreg.gather [hbm4b:s2+s10], $0x1, v0, vm0, $0x4038;
	[tilespmem:$0x100] =	vst v63  }
0x3c: {  	s17 =	sadd.s32 $0x10, s17  }
0x3d: {  	v3 =	vor.u32 v4, v3;
	p1 =	slt.u32 s17, $0x30  }
.Ltmp3:
0x3e: {  	v4 =	vshrl.u32 v1, $0xC;
	v5 =	vshll.u32 v1, $0x7;
	s15 =	smov.u32 s16;
	v0 =	vor.u32 v2, v3;
	v2 =	vmovc v1;
	v1 =	vld.msk [tilespmem:s18+$0x0 ss:$0x1], $0xffff;
	(pc) =	sbr.rel @p1 .LBB2_3-.Ltmp3, $4  }
0x3f: {  	v3 =	vand.u32 $0x7FF80, v5;
	vm1 =	veq.s32 v2, $0x80000000;
	v2 =	vand.u32 $0x7, v4  }
0x40: {  	v4 =	vsel vm1, $0xFFFFFFFF, v2;
	v5 =	vsel vm1, $0xFFFFFF80, v3  }
0x41: {  	v2 =	vand.u32 $0x7F, v4;
	v3 =	vand.u32 $0xFFFFFC00, v5;
	v4 =	vand.u32 $0xFFFFFC00, v4  }
0x42: {  	s16 =	sadd.s32 $0x10, s16;
	s18 =	sadd.s32 $0x10, s18;
	v3 =	vadd.s32 v4, v3;
	v4 =	vand.u32 $0x380, v5;
	(ifvalue) =	ssetifvalue $0x7FFFFFFF  }
.Ltmp4:
0x43: {  	_ = 	snop;
	(pc) =	sbr.rel .LBB2_4-.Ltmp4, $1  }
0x44: {  	_ =	sdelay $0x3  }
.LBB2_6:
0x45: {  	_ =	sfence.sel $0x180000  }
0x46: {  	s2 =	simm.s32 $0x2;
	[bflag:$0x0] =	sbarrier.arrive $0xFFFF  }
0x47: {  	s30 =	simm.s32 $0x3;
	[sflag:s2] =	ssyncpa.u1 $0x1  }
0x48: {  	s31 =	simm.s32 $0x1;
	[sflag:s30] =	ssyncpa.u1 $0x1  }
0x49: {  	[sflag:s31] =	ssyncpa.u1 $0x1  }
0x4a: {  	p0 =	sne.s32 s0, $0x0;
	_ =	strace $0x90000047  }
0x4b: {  	s0 =	sadd.s32 @!p0 $0x100000, s1;
	[bflag:$0x2] =	sbarrier.arrive $0xFFFF  }
0x4c: {  	[sflag:s0] =	ssyncadd.tile.s32 @!p0 $0x1;
	_ =	shalt  }
.Lfunc_end2:
_tile_overlayer_lowered:
.L_overlay_start_2:
0x4d: {  	(tag) =	ssettag $0x2  }
0x4e: {  	s0 =	rddreg [dreg:$0x0];
	s2 =	stileid.u32  }
0x4f: {  	s1 =	rddreg [dreg:$0x1];
	p0 =	sne.s32 s2, $0x0  }
0x50: {  	s3 =	rddreg [dreg:$0x2];
	[bflag:$0x3] =	sbarrier.arrive $0xFFFF;
	s2 =	simm.s32 @!p0 $0x1C01  }
0x51: {  	[timem:s3], [sflag:s2] =	dma.local @!p0 [hbm:s0], s1  }
0x52: {  	s0 =	simm.s32 @!p0 $0x1  }
0x53: {  	_ =	swait.ge @!p0 [sflag:s0], s1  }
0x54: {  	s1 =	ssub.s32 @!p0 $0x0, s1;
	[sflag:s0] =	ssyncset.done @!p0 $0x0  }
0x55: {  	[sflag:s0] =	ssyncadd.s32 @!p0 s1  }
0x56: {  	[bflag:$0x3] =	sbarrier.arrive $0xFFFF  }
0x57: {  	_ =	shalt  }

// kernel: kernel.10.cloned.1.call-start
scs
__scs_entry_jumppad:
0x0: {  	(pc) =	sbr.rel $0x88, $3  }
0x1: {  	(tag) =	ssettag $0x0;
	lr =	simm.s32 $0x1  }
0x2: {  	[smem:$0x3F9C] =	sst lr;
	_ =	strace $0xD0000000  }
0x3: {  	_ = 	snop  }
0x4: {  	_ = 	snop  }
0x5: {  	_ = 	snop  }
0x6: {  	_ = 	snop  }
0x7: {  	_ = 	snop  }
__scs_overlays_trampoline_lowered:
0x8: {  	[smem:$0x3FAB] =	sst s0  }
0x9: {  	[smem:$0x3FAC] =	sst s1  }
0xa: {  	[smem:$0x3FAD] =	sst s2  }
0xb: {  	[smem:$0x3FAE] =	sst s3  }
0xc: {  	[smem:$0x3FAF] =	sst s4  }
0xd: {  	[smem:$0x3FB0] =	sst s5  }
0xe: {  	[smem:$0x3FB1] =	sst s6  }
0xf: {  	[smem:$0x3FB2] =	sst s7  }
0x10: {  	[smem:$0x3FB3] =	sst s8  }
0x11: {  	[smem:$0x3FB4] =	sst s9;
	s0 =	simm.s32 @!p0 $0x0  }
0x12: {  	s1 =	sld [smem:$0x3F9A];
	s0 =	simm.s32 @p0 $0x1  }
0x13: {  	[smem:$0x3FB5] =	sst s0;
	s0 =	simm.s32 @!p1 $0x0  }
0x14: {  	s2 =	sld [smem:$0x3F99];
	s0 =	simm.s32 @p1 $0x1  }
0x15: {  	[smem:$0x3FB6] =	sst s0;
	s0 =	simm.s32 @!p2 $0x0  }
0x16: {  	s3 =	sld [smem:$0x3FDB];
	s0 =	simm.s32 @p2 $0x1  }
0x17: {  	s4 =	simm.s32 $0x1BF5;
	[smem:$0x3FB8] =	sst s0  }
0x18: {  	s0 =	sld [smem:$0x3F9B];
	_ =	swait.ge [sflag:s4], $0x0  }
0x19: {  	s7 =	sld [smem:$0x3F9C]  }
0x1a: {  	s8 =	sadd.s32 $0xFFFFE003, lr  }
0x1b: {  	s9 =	sadd.s32 $0xFFFFFEF7, lr;
	s5 =	simm.s32 $0xFFFFFFFF;
	p2 =	slt.u32 s8, $0xFFFFF086  }
0x1c: {  	p1 =	slt.u32 s9, $0xF7A;
	s5 =	simm.s32 @!p2 $0x0  }
0x1d: {  	s5 =	simm.s32 @p1 $0x1;
	p0 =	seq.s32 s7, s2  }
0x1e: {  	s7 =	smul.u32 @!p0 $0xF7A, s2;
	p2 =	seq.s32 @!p0 s5, $0x0  }
0x1f: {  	s9 =	smul.u32 $0xF7A, s1;
	s8 =	simm.s32 @!p0 $0x1BF5;
	p2 =	por !p2, p0  }
0x20: {  	[sflag:s8] =	ssyncset.s32 @!p0 $0xFFFFF086;
	s6 =	sadd.s32 @!p0 s3, s7;
	s7 =	simm.s32 @!p0 $0x108  }
0x21: {  	s3 =	sadd.s32 s3, s9;
	s6 =	sadd.s32 @!p0 $0x88, s6;
	s7 =	simm.s32 @p2 $0x1082  }
0x22: {  	[simem:s7], [sflag:s8] =	dma.local @!p0 [hbm:s6], $0xF7A  }
0x23: {  	s9 =	sor.u32 $0xD0000000, s2;
	s6 =	simm.s32 $0x108;
	_ =	swait.ge @!p0 [sflag:s8], $0x0  }
0x24: {  	s3 =	sadd.s32 $0x88, s3;
	s6 =	simm.s32 @!p1 $0x1082;
	[sflag:s4] =	ssyncset.s32 $0xFFFFF086  }
0x25: {  	[simem:s6], [sflag:s4] =	dma.local [hbm:s3], $0xF7A  }
0x26: {  	[smem:$0x3F9C] =	sst s1;
	(tag) =	ssettag s2;
	_ =	strace s9  }
0x27: {  	s1 =	sld [smem:$0x3FAC]  }
0x28: {  	s2 =	sld [smem:$0x3FAD]  }
0x29: {  	s4 =	sld [smem:$0x3FAF]  }
0x2a: {  	p0 =	seq.s32 s5, $0x0;
	s5 =	sld [smem:$0x3FB0]  }
0x2b: {  	s6 =	sld [smem:$0x3FB1]  }
0x2c: {  	s7 =	sld [smem:$0x3FB2]  }
0x2d: {  	s3 =	simm.s32 $0x108;
	s8 =	sld [smem:$0x3FB3]  }
0x2e: {  	s3 =	simm.s32 @!p0 $0x1082;
	s9 =	sld [smem:$0x3FB4]  }
0x2f: {  	lr =	sadd.s32 s0, s3;
	s0 =	sld [smem:$0x3FAB]  }
0x30: {  	s3 =	sld [smem:$0x3FAE]  }
0x31: {  	[smem:$0x3FB7] =	sst s10  }
0x32: {  	s10 =	sld [smem:$0x3FB5];
	_ =	sdelay $0x3  }
0x33: {  	p0 =	seq.s32 s10, $0x1;
	s10 =	sld [smem:$0x3FB7];
	_ =	sdelay $0x3  }
0x34: {  	[smem:$0x3FB7] =	sst s10  }
0x35: {  	s10 =	sld [smem:$0x3FB6];
	_ =	sdelay $0x3  }
0x36: {  	p1 =	seq.s32 s10, $0x1;
	s10 =	sld [smem:$0x3FB7];
	_ =	sdelay $0x3  }
0x37: {  	[smem:$0x3FB7] =	sst s10  }
0x38: {  	s10 =	sld [smem:$0x3FB8]  }
0x39: {  	_ = 	snop;
	(pc) =	sbr.ind lr, $3  }
0x3a: {  	_ = 	snop  }
0x3b: {  	_ = 	snop  }
0x3c: {  	p2 =	seq.s32 s10, $0x1;
	s10 =	sld [smem:$0x3FB7]  }
0x3d: {  	_ =	shalt  }
0x3e: {  	_ =	shalt  }
0x3f: {  	_ =	shalt  }
0x40: {  	_ =	shalt  }
0x41: {  	_ =	shalt  }
0x42: {  	_ =	shalt  }
0x43: {  	_ =	shalt  }
0x44: {  	_ =	shalt  }
0x45: {  	_ =	shalt  }
0x46: {  	_ =	shalt  }
0x47: {  	_ =	shalt  }
0x48: {  	_ =	shalt  }
0x49: {  	_ =	shalt  }
0x4a: {  	_ =	shalt  }
0x4b: {  	_ =	shalt  }
0x4c: {  	_ =	shalt  }
0x4d: {  	_ =	shalt  }
0x4e: {  	_ =	shalt  }
0x4f: {  	_ =	shalt  }
0x50: {  	_ =	shalt  }
0x51: {  	_ =	shalt  }
0x52: {  	_ =	shalt  }
0x53: {  	_ =	shalt  }
0x54: {  	_ =	shalt  }
0x55: {  	_ =	shalt  }
0x56: {  	_ =	shalt  }
0x57: {  	_ =	shalt  }
0x58: {  	_ =	shalt  }
0x59: {  	_ =	shalt  }
0x5a: {  	_ =	shalt  }
0x5b: {  	_ =	shalt  }
0x5c: {  	_ =	shalt  }
0x5d: {  	_ =	shalt  }
0x5e: {  	_ =	shalt  }
0x5f: {  	_ =	shalt  }
0x60: {  	_ =	shalt  }
0x61: {  	_ =	shalt  }
0x62: {  	_ =	shalt  }
0x63: {  	_ =	shalt  }
0x64: {  	_ =	shalt  }
0x65: {  	_ =	shalt  }
0x66: {  	_ =	shalt  }
0x67: {  	_ =	shalt  }
0x68: {  	_ =	shalt  }
0x69: {  	_ =	shalt  }
0x6a: {  	_ =	shalt  }
0x6b: {  	_ =	shalt  }
0x6c: {  	_ =	shalt  }
0x6d: {  	_ =	shalt  }
0x6e: {  	_ =	shalt  }
0x6f: {  	_ =	shalt  }
0x70: {  	_ =	shalt  }
0x71: {  	_ =	shalt  }
0x72: {  	_ =	shalt  }
0x73: {  	_ =	shalt  }
0x74: {  	_ =	shalt  }
0x75: {  	_ =	shalt  }
0x76: {  	_ =	shalt  }
0x77: {  	_ =	shalt  }
0x78: {  	_ =	shalt  }
0x79: {  	_ =	shalt  }
0x7a: {  	_ =	shalt  }
0x7b: {  	_ =	shalt  }
0x7c: {  	_ =	shalt  }
0x7d: {  	_ =	shalt  }
0x7e: {  	_ =	shalt  }
0x7f: {  	_ =	shalt  }
0x80: {  	_ =	shalt  }
0x81: {  	_ =	shalt  }
0x82: {  	_ =	shalt  }
0x83: {  	_ =	shalt  }
0x84: {  	_ =	shalt  }
0x85: {  	_ =	shalt  }
0x86: {  	_ =	shalt  }
0x87: {  	_ =	shalt  }
.Lfunc_end0:
.L_simem_size_0:
called_computation.2_lowered:
.L_overlay_start_0:
0x88: {  	s2 =	sld [smem:$0x3FD9]  }
0x89: {  	s3 =	sld [smem:$0x3FFE];
	_ =	sdelay $0x1  }
0x8a: {  	s1 =	srdreg.scid  }
0x8b: {  	s0 =	sand.u32 $0x1, s1  }
0x8c: {  	s16 =	sshll.u32 s0, $0xA;
	s2 =	sadd.s32 s3, s2  }
0x8d: {  	s2 =	sadd.s32 s2, s16  }
0x8e: {  	[smem:$0x3FC3] =	sst s2  }
0x8f: {  	_ = 	snop  }
0x90: {  	(tm) =	ssettm $0x1  }
0x91: {  	s17 =	sld [smem:$0x3FFB];
	_ =	sdelay $0x3  }
0x92: {  	_ =	strace s17  }
0x93: {  	s2 =	sld [smem:$0x3FFC];
	_ =	sdelay $0x3  }
0x94: {  	_ =	strace s2  }
0x95: {  	s2 =	sld [smem:$0x3FFD];
	_ =	sdelay $0x3  }
0x96: {  	_ =	strace s2  }
0x97: {  	_ =	strace $0x8FFFFFFF  }
0x98: {  	s18 =	sld [smem:$0x3FDB];
	_ =	sdelay $0x1  }
0x99: {  	s19 =	simm.s32 $_scs_section_size  }
0x9a: {  	s4 =	simm.s32 $_size__tile_overlayer_lowered;
	s5 =	simm.s32 $_tile_overlayer_lowered  }
0x9b: {  	s22 =	simm.s32 $0x1BFF;
	s21 =	sshll.u32 s5, $0x1;
	s2 =	sadd.s32 s19, s18  }
0x9c: {  	s6 =	simm.s32 $0x0;
	s20 =	sshll.u32 s4, $0x1;
	s4 =	sadd.s32 s21, s2  }
0x9d: {  	[timem:s6], [sflag:s22] =	dma.local [hbm:s4], s20  }
0x9e: {  	_ =	swait.ge [sflag:s22], s20  }
0x9f: {  	s3 =	ssub.s32 $0x0, s20;
	[sflag:s22] =	ssyncset.done $0x0  }
0xa0: {  	[sflag:s22] =	ssyncadd.s32 s3;
	_ =	sdelay $0x1  }
0xa1: {  	s23 =	simm.s32 $0x1B8B  }
0xa2: {  	_ =	swait.ge [sflag:s23], $0x1  }
0xa3: {  	[sflag:s23] =	ssyncset.done $0x0  }
0xa4: {  	s25 =	simm.s32 $0x1B8E;
	s24 =	sld [smem:$0x3FFE];
	[sflag:s23] =	ssyncadd.s32 $0xFFFFFFFF  }
0xa5: {  	s26 =	simm.s32 $execute0_lowered;
	[smem:$0x3FD2] =	sst s25  }
0xa6: {  	s4 =	sshll.u32 s26, $0x1;
	_ =	strace $0x8000004C;
	[dreg:$0x1] =	wrdreg $0xFFFFFFFF  }
0xa7: {  	s28 =	simm.s32 $_size_execute0_lowered;
	s2 =	sadd.s32 s2, s4;
	[dreg:$0x0] =	wrdreg $0x0  }
0xa8: {  	s4 =	sshll.u32 s28, $0x1;
	[dreg:$0x2] =	wrdreg s2  }
0xa9: {  	[dreg:$0x3] =	wrdreg s4  }
0xaa: {  	[dreg:$0x4] =	wrdreg $0xC0  }
0xab: {  	_ =	task [dreg:s6], $0x5FFFF  }
0xac: {  	[dreg:$0x1] =	wrdreg $0xFFFFFFFF  }
0xad: {  	[dreg:$0x0] =	wrdreg $0x60  }
0xae: {  	[dreg:$0x2] =	wrdreg s24  }
0xaf: {  	[dreg:$0x3] =	wrdreg $0x9  }
0xb0: {  	_ =	task.clear_ibuf [dreg:s6], $0x4FFFF;
	_ =	strace $0x9000004C  }
0xb1: {  	s29 =	simm.s32 $0x9;
	_ =	strace $0x8000004E  }
0xb2: {  	_ =	swait.ge [sflag:s29], $0x1  }
0xb3: {  	[sflag:s29] =	ssyncadd.s32 $0xFFFFFFFF  }
0xb4: {  	_ =	strace $0x9000004E  }
0xb5: {  	_ =	sfence  }
0xb6: {  	s30 =	sld [smem:$0x0];
	_ =	sdelay $0x2  }
0xb7: {  	s31 =	sshll.u32 s1, $0xD;
	s1 =	sshrl.u32 s1, $0x2  }
0xb8: {  	s3 =	sand.u32 $0x4000, s31;
	s1 =	sadd.s32 s1, s30  }
0xb9: {  	s0 =	sor.u32 s3, s0;
	s1 =	sshll.u32 s1, $0x11  }
0xba: {  	s0 =	sor.u32 s1, s0  }
0xbb: {  	s0 =	sadd.s32 $0x8F2B, s0  }
0xbc: {  	[sflag:s0] =	ssyncadd.remote.s32 $0x1  }
0xbd: {  	_ =	sfence.sel $0xFFFF  }
0xbe: {  	[dreg:$0x0] =	wrdreg $0xFFFFFFFF;
	(pc) =	sbr.abs _section_cstart, $3  }
0xbf: {  	[dreg:$0x1] =	wrdreg $0xFFFFFFFF  }
0xc0: {  	_ =	task.clear_ibuf [dreg:s6], $0x2FFFF;
	_ =	strace $0x9FFFFFFF  }
0xc1: {  	(tm) =	ssettm $0x7FFFFFFF  }
tec
execute0_lowered:
.L_overlay_start_1:
0x0: {  	(tag) =	ssettag $0x1  }
0x1: {  	s0 =	srdreg.scid;
	s5 =	stileid.u32  }
0x2: {  	s1 =	rddreg [dreg:$0x0];
	s2 =	simm.s32 $0x0;
	s13 =	simm.s32 $0x880  }
0x3: {  	s15 =	simm.s32 $0x1080;
	s16 =	simm.s32 $0x1880;
	s17 =	simm.s32 $0x2080  }
0x4: {  	s18 =	simm.s32 $0x2880;
	s7 =	simm.s32 $0x3080;
	[smem:$0x7FF] =	sst s2  }
0x5: {  	s8 =	simm.s32 $0x3880;
	_ =	strace $0x8000004D;
	[dreg:$0x3] =	wrdreg s13  }
0x6: {  	s9 =	simm.s32 $0x4080;
	s10 =	simm.s32 $0x4880;
	[dreg:$0x4] =	wrdreg s15  }
0x7: {  	s11 =	simm.s32 $0x5080;
	s21 =	simm.s32 $0x9080;
	[dreg:$0x5] =	wrdreg s16  }
0x8: {  	s22 =	simm.s32 $0xA080;
	s23 =	simm.s32 $0xA880;
	[dreg:$0x6] =	wrdreg s17  }
0x9: {  	s24 =	simm.s32 $0xB080;
	s25 =	simm.s32 $0xB880;
	[dreg:$0x7] =	wrdreg s18  }
0xa: {  	s26 =	simm.s32 $0xC080;
	s31 =	simm.s32 $0xC880;
	[dreg:$0x8] =	wrdreg s7  }
0xb: {  	s28 =	simm.s32 $0xF080;
	s29 =	simm.s32 $0xF880;
	[dreg:$0x9] =	wrdreg s8  }
0xc: {  	s30 =	simm.s32 $0x1;
	s0 =	sand.u32 $0x1, s0;
	[dreg:$0xa] =	wrdreg s9  }
0xd: {  	s3 =	sshll.u32 s5, $0x8;
	s5 =	sshll.u32 s5, $0x11;
	[dreg:$0xb] =	wrdreg s10  }
0xe: {  	s4 =	sshll.u32 s0, $0x7;
	s19 =	sadd.s32 s5, s1;
	[dreg:$0xc] =	wrdreg s11  }
0xf: {  	s14 =	ssub.s32 $0x2, s0;
	s5 =	sadd.s32 $0x24A00, s1;
	[dreg:$0x14] =	wrdreg s21  }
0x10: {  	s7 =	sadd.s32 $0x24C00, s1;
	s8 =	sadd.s32 $0x24D00, s1;
	[dreg:$0x16] =	wrdreg s22  }
0x11: {  	s9 =	sadd.s32 $0x24E00, s1;
	s10 =	sadd.s32 $0x24F00, s1;
	[dreg:$0x17] =	wrdreg s23  }
0x12: {  	s11 =	sadd.s32 $0x25000, s1;
	s13 =	simm.s32 $0x6080;
	[dreg:$0x18] =	wrdreg s24  }
0x13: {  	s15 =	simm.s32 $0x7080;
	s16 =	simm.s32 $0x7880;
	[dreg:$0x19] =	wrdreg s25  }
0x14: {  	s17 =	simm.s32 $0x8080;
	s18 =	simm.s32 $0x8880;
	[dreg:$0x1a] =	wrdreg s26  }
0x15: {  	s21 =	simm.s32 $0x9880;
	s0 =	sshll.u32 s0, $0x10;
	[dreg:$0x1b] =	wrdreg s31  }
0x16: {  	s22 =	simm.s32 $0x80;
	s23 =	simm.s32 $0xD080;
	[dreg:$0xe] =	wrdreg s13  }
0x17: {  	s24 =	simm.s32 $0xD880;
	s25 =	simm.s32 $0xE080;
	[dreg:$0x10] =	wrdreg s15  }
0x18: {  	s26 =	simm.s32 $0xE880;
	s3 =	sor.u32 s4, s3;
	[dreg:$0x11] =	wrdreg s16  }
0x19: {  	s6 =	sshrl.u32 s14, $0x1;
	s13 =	sadd.s32 $0x25200, s1;
	[dreg:$0x12] =	wrdreg s17  }
0x1a: {  	s15 =	sadd.s32 $0x25400, s1;
	s16 =	sadd.s32 $0x25500, s1;
	[dreg:$0x13] =	wrdreg s18  }
0x1b: {  	s17 =	sadd.s32 $0x25600, s1;
	s18 =	sadd.s32 $0x25700, s1;
	[dreg:$0x15] =	wrdreg s21  }
0x1c: {  	s0 =	sadd.s32 s0, s19;
	s21 =	simm.s32 $0x2;
	s3 =	sshrl.u32 s3, $0x3  }
0x1d: {  	s20 =	ssub.s32 s14, s6;
	s6 =	sadd.s32 $0x24B00, s1;
	s14 =	simm.s32 $0x6880  }
0x1e: {  	s0 =	sadd.s32 $0x2A4800, s0;
	s12 =	sadd.s32 s3, s1;
	[dreg:$0xf] =	wrdreg s14  }
0x1f: {  	s3 =	sadd.s32 $0x24800, s1;
	s20 =	smax.u32 s20, $0x1;
	[dreg:$0x1d] =	wrdreg s0  }
0x20: {  	v2 =	vlaneseq.u32;
	s14 =	sadd.s32 $0x25300, s1;
	s4 =	sadd.s32 $0x24600, s12;
	[dreg:$0x1c] =	wrdreg s20  }
0x21: {  	vm0 =	vmmov $0xffff;
	v1 =	vshrl.u32 v2, $0x3;
	s12 =	simm.s32 $0x5880;
	[dreg:$0x2] =	wrdreg s4;
	s4 =	sadd.s32 $0x24900, s1  }
0x22: {  	v0 =	vand.u32 $0x7, v2;
	v2 =	vor.u32 $0x8, v2;
	v1 =	vmul.u32 $0x8, v1;
	[dreg:$0xd] =	wrdreg s12;
	s12 =	sadd.s32 $0x25100, s1;
	s1 =	simm.s32 $0x0  }
.LBB2_1:
0x23: {  	s0 =	rddreg [dreg:$0x2]  }
0x24: {  	[dreg:$0x1e] =	wrdreg s1;
	s0 =	sadd.s32 $0x0, s0  }
0x25: {  	[tilespmem:s2], [sflag:$0x2] =	stream.linear.gather [hbm4b:s0+s2], $0x10, $0x38;
	[tilespmem:$0x10080] =	vst v63  }
0x26: {  	_ =	swait.ge [sflag:s21], $0x10  }
0x27: {  	[sflag:s21] =	ssyncset.done $0x0  }
0x28: {  	[sflag:s21] =	ssyncadd.s32 $0xFFFFFFF0  }
0x29: {  	v3 =	vld [tilespmem:$0x0];
	_ =	sdelay $0x4  }
0x2a: {  	v4 =	vshll.u32 v3, $0x5  }
0x2b: {  	v3 =	vand.u32 $0x7, v3;
	v4 =	vand.u32 $0xFFFFFF00, v4  }
0x2c: {  	v3 =	vor.u32 v3, v4  }
0x2d: {  	v4 =	vperm.xlane v3, v0;
	_ =	sdelay $0x1  }
0x2e: {  	v4 =	vadd.s32 v1, v4;
	_ =	sdelay $0x4  }
0x2f: {  	[tilespmem:s22], [sflag:$0x1] =	stream.indirect_vreg.gather [hbm4b:s3+s2], $0x80, v4, vm0, $0xb8;
	[tilespmem:$0x10080] =	vst v63  }
0x30: {  	s1 =	rddreg [dreg:$0x3]  }
0x31: {  	[tilespmem:s1], [sflag:$0x1] =	stream.indirect_vreg.gather [hbm4b:s4+s2], $0x80, v4, vm0, $0xb8;
	[tilespmem:$0x10080] =	vst v63  }
0x32: {  	s19 =	rddreg [dreg:$0x4]  }
0x33: {  	[tilespmem:s19], [sflag:$0x1] =	stream.indirect_vreg.gather [hbm4b:s5+s2], $0x80, v4, vm0, $0xb8;
	[tilespmem:$0x10080] =	vst v63  }
0x34: {  	s20 =	rddreg [dreg:$0x5]  }
0x35: {  	[tilespmem:s20], [sflag:$0x1] =	stream.indirect_vreg.gather [hbm4b:s6+s2], $0x80, v4, vm0, $0xb8;
	[tilespmem:$0x10080] =	vst v63  }
0x36: {  	s31 =	rddreg [dreg:$0x6]  }
0x37: {  	[tilespmem:s31], [sflag:$0x1] =	stream.indirect_vreg.gather [hbm4b:s7+s2], $0x80, v4, vm0, $0xb8;
	[tilespmem:$0x10080] =	vst v63  }
0x38: {  	s19 =	rddreg [dreg:$0x7]  }
0x39: {  	[tilespmem:s19], [sflag:$0x1] =	stream.indirect_vreg.gather [hbm4b:s8+s2], $0x80, v4, vm0, $0xb8;
	[tilespmem:$0x10080] =	vst v63  }
0x3a: {  	s20 =	rddreg [dreg:$0x8]  }
0x3b: {  	[tilespmem:s20], [sflag:$0x1] =	stream.indirect_vreg.gather [hbm4b:s9+s2], $0x80, v4, vm0, $0xb8;
	[tilespmem:$0x10080] =	vst v63  }
0x3c: {  	s31 =	rddreg [dreg:$0x9]  }
0x3d: {  	[tilespmem:s31], [sflag:$0x1] =	stream.indirect_vreg.gather [hbm4b:s10+s2], $0x80, v4, vm0, $0xb8;
	[tilespmem:$0x10080] =	vst v63  }
0x3e: {  	s19 =	rddreg [dreg:$0xa]  }
0x3f: {  	[tilespmem:s19], [sflag:$0x1] =	stream.indirect_vreg.gather [hbm4b:s11+s2], $0x80, v4, vm0, $0xb8;
	[tilespmem:$0x10080] =	vst v63  }
0x40: {  	s20 =	rddreg [dreg:$0xb]  }
0x41: {  	[tilespmem:s20], [sflag:$0x1] =	stream.indirect_vreg.gather [hbm4b:s12+s2], $0x80, v4, vm0, $0xb8;
	[tilespmem:$0x10080] =	vst v63  }
0x42: {  	s31 =	rddreg [dreg:$0xc]  }
0x43: {  	[tilespmem:s31], [sflag:$0x1] =	stream.indirect_vreg.gather [hbm4b:s13+s2], $0x80, v4, vm0, $0xb8;
	[tilespmem:$0x10080] =	vst v63  }
0x44: {  	s19 =	rddreg [dreg:$0xd]  }
0x45: {  	[tilespmem:s19], [sflag:$0x1] =	stream.indirect_vreg.gather [hbm4b:s14+s2], $0x80, v4, vm0, $0xb8;
	[tilespmem:$0x10080] =	vst v63  }
0x46: {  	s20 =	rddreg [dreg:$0xe]  }
0x47: {  	[tilespmem:s20], [sflag:$0x1] =	stream.indirect_vreg.gather [hbm4b:s15+s2], $0x80, v4, vm0, $0xb8;
	[tilespmem:$0x10080] =	vst v63  }
0x48: {  	v3 =	vperm.xlane v3, v2;
	s31 =	rddreg [dreg:$0xf]  }
0x49: {  	[tilespmem:s31], [sflag:$0x1] =	stream.indirect_vreg.gather [hbm4b:s16+s2], $0x80, v4, vm0, $0xb8;
	[tilespmem:$0x10080] =	vst v63  }
0x4a: {  	v3 =	vadd.s32 v1, v3;
	s19 =	rddreg [dreg:$0x10]  }
0x4b: {  	[tilespmem:s19], [sflag:$0x1] =	stream.indirect_vreg.gather [hbm4b:s17+s2], $0x80, v4, vm0, $0xb8;
	[tilespmem:$0x10080] =	vst v63  }
0x4c: {  	s20 =	rddreg [dreg:$0x11]  }
0x4d: {  	[tilespmem:s20], [sflag:$0x1] =	stream.indirect_vreg.gather [hbm4b:s18+s2], $0x80, v4, vm0, $0xb8;
	[tilespmem:$0x10080] =	vst v63  }
0x4e: {  	s31 =	rddreg [dreg:$0x12]  }
0x4f: {  	[tilespmem:s31], [sflag:$0x1] =	stream.indirect_vreg.gather [hbm4b:s3+s2], $0x80, v3, vm0, $0xb8;
	[tilespmem:$0x10080] =	vst v63  }
0x50: {  	s19 =	rddreg [dreg:$0x13]  }
0x51: {  	[tilespmem:s19], [sflag:$0x1] =	stream.indirect_vreg.gather [hbm4b:s4+s2], $0x80, v3, vm0, $0xb8;
	[tilespmem:$0x10080] =	vst v63  }
0x52: {  	s20 =	rddreg [dreg:$0x14]  }
0x53: {  	[tilespmem:s20], [sflag:$0x1] =	stream.indirect_vreg.gather [hbm4b:s5+s2], $0x80, v3, vm0, $0xb8;
	[tilespmem:$0x10080] =	vst v63  }
0x54: {  	s31 =	rddreg [dreg:$0x15]  }
0x55: {  	[tilespmem:s31], [sflag:$0x1] =	stream.indirect_vreg.gather [hbm4b:s6+s2], $0x80, v3, vm0, $0xb8;
	[tilespmem:$0x10080] =	vst v63  }
0x56: {  	s19 =	rddreg [dreg:$0x16]  }
0x57: {  	[tilespmem:s19], [sflag:$0x1] =	stream.indirect_vreg.gather [hbm4b:s7+s2], $0x80, v3, vm0, $0xb8;
	[tilespmem:$0x10080] =	vst v63  }
0x58: {  	s20 =	rddreg [dreg:$0x17]  }
0x59: {  	[tilespmem:s20], [sflag:$0x1] =	stream.indirect_vreg.gather [hbm4b:s8+s2], $0x80, v3, vm0, $0xb8;
	[tilespmem:$0x10080] =	vst v63  }
0x5a: {  	s31 =	rddreg [dreg:$0x18]  }
0x5b: {  	[tilespmem:s31], [sflag:$0x1] =	stream.indirect_vreg.gather [hbm4b:s9+s2], $0x80, v3, vm0, $0xb8;
	[tilespmem:$0x10080] =	vst v63  }
0x5c: {  	s19 =	rddreg [dreg:$0x19]  }
0x5d: {  	[tilespmem:s19], [sflag:$0x1] =	stream.indirect_vreg.gather [hbm4b:s10+s2], $0x80, v3, vm0, $0xb8;
	[tilespmem:$0x10080] =	vst v63  }
0x5e: {  	s20 =	rddreg [dreg:$0x1a]  }
0x5f: {  	[tilespmem:s20], [sflag:$0x1] =	stream.indirect_vreg.gather [hbm4b:s11+s2], $0x80, v3, vm0, $0xb8;
	[tilespmem:$0x10080] =	vst v63  }
0x60: {  	s31 =	rddreg [dreg:$0x1b]  }
0x61: {  	[tilespmem:s31], [sflag:$0x1] =	stream.indirect_vreg.gather [hbm4b:s12+s2], $0x80, v3, vm0, $0xb8;
	[tilespmem:$0x10080] =	vst v63  }
0x62: {  	_ = 	snop  }
0x63: {  	[tilespmem:s23], [sflag:$0x1] =	stream.indirect_vreg.gather [hbm4b:s13+s2], $0x80, v3, vm0, $0xb8;
	[tilespmem:$0x10080] =	vst v63  }
0x64: {  	_ = 	snop  }
0x65: {  	[tilespmem:s24], [sflag:$0x1] =	stream.indirect_vreg.gather [hbm4b:s14+s2], $0x80, v3, vm0, $0xb8;
	[tilespmem:$0x10080] =	vst v63  }
0x66: {  	_ = 	snop  }
0x67: {  	[tilespmem:s25], [sflag:$0x1] =	stream.indirect_vreg.gather [hbm4b:s15+s2], $0x80, v3, vm0, $0xb8;
	[tilespmem:$0x10080] =	vst v63  }
0x68: {  	_ = 	snop  }
0x69: {  	[tilespmem:s26], [sflag:$0x1] =	stream.indirect_vreg.gather [hbm4b:s16+s2], $0x80, v3, vm0, $0xb8;
	[tilespmem:$0x10080] =	vst v63  }
0x6a: {  	_ = 	snop  }
0x6b: {  	[tilespmem:s28], [sflag:$0x1] =	stream.indirect_vreg.gather [hbm4b:s17+s2], $0x80, v3, vm0, $0xb8;
	[tilespmem:$0x10080] =	vst v63  }
0x6c: {  	_ = 	snop  }
0x6d: {  	[tilespmem:s29], [sflag:$0x1] =	stream.indirect_vreg.gather [hbm4b:s18+s2], $0x80, v3, vm0, $0xb8;
	[tilespmem:$0x10080] =	vst v63  }
0x6e: {  	_ =	swait.ge [sflag:s30], $0x10000  }
0x6f: {  	[sflag:s30] =	ssyncset.done $0x0  }
0x70: {  	s20 =	rddreg [dreg:$0x1d];
	[sflag:s30] =	ssyncadd.s32 $0xFFFF0000  }
0x71: {  	[hbm4b:s20+s2] =	stream.linear.scatter [tilespmem:s22], [sflag:$0x2], $0x10000, $0x38;
	[tilespmem:$0x10080] =	vst v63  }
0x72: {  	s0 =	simm.s32 $0x2;
	_ =	swait.ge [sflag:s21], $0x10000  }
0x73: {  	s19 =	simm.s32 $0x4;
	s1 =	rddreg [dreg:$0x2];
	[sflag:s21] =	ssyncset.done $0x0  }
.LBB2_2:
0x74: {  	[sflag:s21] =	ssyncadd.s32 $0xFFFF0000;
	s1 =	sadd.s32 s0, s1  }
0x75: {  	[tilespmem:s2], [sflag:$0x2] =	stream.linear.gather [hbm4b:s1+s2], $0x10, $0x38;
	[tilespmem:$0x10080] =	vst v63  }
0x76: {  	_ =	swait.ge [sflag:s21], $0x10  }
0x77: {  	[sflag:s21] =	ssyncset.done $0x0  }
0x78: {  	[sflag:s21] =	ssyncadd.s32 $0xFFFFFFF0  }
0x79: {  	v3 =	vld [tilespmem:$0x0];
	_ =	sdelay $0x4  }
0x7a: {  	v4 =	vshll.u32 v3, $0x5  }
0x7b: {  	v3 =	vand.u32 $0x7, v3;
	v4 =	vand.u32 $0xFFFFFF00, v4  }
0x7c: {  	v3 =	vor.u32 v3, v4  }
0x7d: {  	v4 =	vperm.xlane v3, v0;
	_ =	sdelay $0x1  }
0x7e: {  	v4 =	vadd.s32 v1, v4;
	_ =	sdelay $0x4  }
0x7f: {  	[tilespmem:s22], [sflag:$0x1] =	stream.indirect_vreg.gather [hbm4b:s3+s2], $0x80, v4, vm0, $0xb8;
	[tilespmem:$0x10080] =	vst v63  }
0x80: {  	s31 =	smov.u32 s19;
	s1 =	rddreg [dreg:$0x3]  }
0x81: {  	[tilespmem:s1], [sflag:$0x1] =	stream.indirect_vreg.gather [hbm4b:s4+s2], $0x80, v4, vm0, $0xb8;
	[tilespmem:$0x10080] =	vst v63  }
0x82: {  	s0 =	smov.u32 s31;
	s31 =	rddreg [dreg:$0x4]  }
0x83: {  	[tilespmem:s31], [sflag:$0x1] =	stream.indirect_vreg.gather [hbm4b:s5+s2], $0x80, v4, vm0, $0xb8;
	[tilespmem:$0x10080] =	vst v63  }
0x84: {  	s1 =	rddreg [dreg:$0x5]  }
0x85: {  	[tilespmem:s1], [sflag:$0x1] =	stream.indirect_vreg.gather [hbm4b:s6+s2], $0x80, v4, vm0, $0xb8;
	[tilespmem:$0x10080] =	vst v63  }
0x86: {  	s31 =	rddreg [dreg:$0x6]  }
0x87: {  	[tilespmem:s31], [sflag:$0x1] =	stream.indirect_vreg.gather [hbm4b:s7+s2], $0x80, v4, vm0, $0xb8;
	[tilespmem:$0x10080] =	vst v63  }
0x88: {  	s1 =	rddreg [dreg:$0x7]  }
0x89: {  	[tilespmem:s1], [sflag:$0x1] =	stream.indirect_vreg.gather [hbm4b:s8+s2], $0x80, v4, vm0, $0xb8;
	[tilespmem:$0x10080] =	vst v63  }
0x8a: {  	s31 =	rddreg [dreg:$0x8]  }
0x8b: {  	[tilespmem:s31], [sflag:$0x1] =	stream.indirect_vreg.gather [hbm4b:s9+s2], $0x80, v4, vm0, $0xb8;
	[tilespmem:$0x10080] =	vst v63  }
0x8c: {  	s1 =	rddreg [dreg:$0x9]  }
0x8d: {  	[tilespmem:s1], [sflag:$0x1] =	stream.indirect_vreg.gather [hbm4b:s10+s2], $0x80, v4, vm0, $0xb8;
	[tilespmem:$0x10080] =	vst v63  }
0x8e: {  	s31 =	rddreg [dreg:$0xa]  }
0x8f: {  	[tilespmem:s31], [sflag:$0x1] =	stream.indirect_vreg.gather [hbm4b:s11+s2], $0x80, v4, vm0, $0xb8;
	[tilespmem:$0x10080] =	vst v63  }
0x90: {  	s1 =	rddreg [dreg:$0xb]  }
0x91: {  	[tilespmem:s1], [sflag:$0x1] =	stream.indirect_vreg.gather [hbm4b:s12+s2], $0x80, v4, vm0, $0xb8;
	[tilespmem:$0x10080] =	vst v63  }
0x92: {  	s31 =	rddreg [dreg:$0xc]  }
0x93: {  	[tilespmem:s31], [sflag:$0x1] =	stream.indirect_vreg.gather [hbm4b:s13+s2], $0x80, v4, vm0, $0xb8;
	[tilespmem:$0x10080] =	vst v63  }
0x94: {  	s1 =	rddreg [dreg:$0xd]  }
0x95: {  	[tilespmem:s1], [sflag:$0x1] =	stream.indirect_vreg.gather [hbm4b:s14+s2], $0x80, v4, vm0, $0xb8;
	[tilespmem:$0x10080] =	vst v63  }
0x96: {  	s31 =	rddreg [dreg:$0xe]  }
0x97: {  	[tilespmem:s31], [sflag:$0x1] =	stream.indirect_vreg.gather [hbm4b:s15+s2], $0x80, v4, vm0, $0xb8;
	[tilespmem:$0x10080] =	vst v63  }
0x98: {  	v3 =	vperm.xlane v3, v2;
	s1 =	rddreg [dreg:$0xf]  }
0x99: {  	[tilespmem:s1], [sflag:$0x1] =	stream.indirect_vreg.gather [hbm4b:s16+s2], $0x80, v4, vm0, $0xb8;
	[tilespmem:$0x10080] =	vst v63  }
0x9a: {  	v3 =	vadd.s32 v1, v3;
	s31 =	rddreg [dreg:$0x10]  }
0x9b: {  	[tilespmem:s31], [sflag:$0x1] =	stream.indirect_vreg.gather [hbm4b:s17+s2], $0x80, v4, vm0, $0xb8;
	[tilespmem:$0x10080] =	vst v63  }
0x9c: {  	s1 =	rddreg [dreg:$0x11]  }
0x9d: {  	[tilespmem:s1], [sflag:$0x1] =	stream.indirect_vreg.gather [hbm4b:s18+s2], $0x80, v4, vm0, $0xb8;
	[tilespmem:$0x10080] =	vst v63  }
0x9e: {  	s31 =	rddreg [dreg:$0x12]  }
0x9f: {  	[tilespmem:s31], [sflag:$0x1] =	stream.indirect_vreg.gather [hbm4b:s3+s2], $0x80, v3, vm0, $0xb8;
	[tilespmem:$0x10080] =	vst v63  }
0xa0: {  	s1 =	rddreg [dreg:$0x13]  }
0xa1: {  	[tilespmem:s1], [sflag:$0x1] =	stream.indirect_vreg.gather [hbm4b:s4+s2], $0x80, v3, vm0, $0xb8;
	[tilespmem:$0x10080] =	vst v63  }
0xa2: {  	s31 =	rddreg [dreg:$0x14]  }
0xa3: {  	[tilespmem:s31], [sflag:$0x1] =	stream.indirect_vreg.gather [hbm4b:s5+s2], $0x80, v3, vm0, $0xb8;
	[tilespmem:$0x10080] =	vst v63  }
0xa4: {  	s1 =	rddreg [dreg:$0x15]  }
0xa5: {  	[tilespmem:s1], [sflag:$0x1] =	stream.indirect_vreg.gather [hbm4b:s6+s2], $0x80, v3, vm0, $0xb8;
	[tilespmem:$0x10080] =	vst v63  }
0xa6: {  	s31 =	rddreg [dreg:$0x16]  }
0xa7: {  	[tilespmem:s31], [sflag:$0x1] =	stream.indirect_vreg.gather [hbm4b:s7+s2], $0x80, v3, vm0, $0xb8;
	[tilespmem:$0x10080] =	vst v63  }
0xa8: {  	s1 =	rddreg [dreg:$0x17]  }
0xa9: {  	[tilespmem:s1], [sflag:$0x1] =	stream.indirect_vreg.gather [hbm4b:s8+s2], $0x80, v3, vm0, $0xb8;
	[tilespmem:$0x10080] =	vst v63  }
0xaa: {  	s31 =	rddreg [dreg:$0x18]  }
0xab: {  	[tilespmem:s31], [sflag:$0x1] =	stream.indirect_vreg.gather [hbm4b:s9+s2], $0x80, v3, vm0, $0xb8;
	[tilespmem:$0x10080] =	vst v63  }
0xac: {  	s1 =	rddreg [dreg:$0x19]  }
0xad: {  	[tilespmem:s1], [sflag:$0x1] =	stream.indirect_vreg.gather [hbm4b:s10+s2], $0x80, v3, vm0, $0xb8;
	[tilespmem:$0x10080] =	vst v63  }
0xae: {  	s31 =	rddreg [dreg:$0x1a]  }
0xaf: {  	[tilespmem:s31], [sflag:$0x1] =	stream.indirect_vreg.gather [hbm4b:s11+s2], $0x80, v3, vm0, $0xb8;
	[tilespmem:$0x10080] =	vst v63  }
0xb0: {  	s1 =	rddreg [dreg:$0x1b]  }
0xb1: {  	[tilespmem:s1], [sflag:$0x1] =	stream.indirect_vreg.gather [hbm4b:s12+s2], $0x80, v3, vm0, $0xb8;
	[tilespmem:$0x10080] =	vst v63  }
0xb2: {  	_ = 	snop  }
0xb3: {  	[tilespmem:s23], [sflag:$0x1] =	stream.indirect_vreg.gather [hbm4b:s13+s2], $0x80, v3, vm0, $0xb8;
	[tilespmem:$0x10080] =	vst v63  }
0xb4: {  	_ = 	snop  }
0xb5: {  	[tilespmem:s24], [sflag:$0x1] =	stream.indirect_vreg.gather [hbm4b:s14+s2], $0x80, v3, vm0, $0xb8;
	[tilespmem:$0x10080] =	vst v63  }
0xb6: {  	_ = 	snop  }
0xb7: {  	[tilespmem:s25], [sflag:$0x1] =	stream.indirect_vreg.gather [hbm4b:s15+s2], $0x80, v3, vm0, $0xb8;
	[tilespmem:$0x10080] =	vst v63  }
0xb8: {  	_ = 	snop  }
0xb9: {  	[tilespmem:s26], [sflag:$0x1] =	stream.indirect_vreg.gather [hbm4b:s16+s2], $0x80, v3, vm0, $0xb8;
	[tilespmem:$0x10080] =	vst v63  }
0xba: {  	_ = 	snop  }
0xbb: {  	[tilespmem:s28], [sflag:$0x1] =	stream.indirect_vreg.gather [hbm4b:s17+s2], $0x80, v3, vm0, $0xb8;
	[tilespmem:$0x10080] =	vst v63  }
0xbc: {  	_ = 	snop  }
0xbd: {  	[tilespmem:s29], [sflag:$0x1] =	stream.indirect_vreg.gather [hbm4b:s18+s2], $0x80, v3, vm0, $0xb8;
	[tilespmem:$0x10080] =	vst v63  }
0xbe: {  	p0 =	sne.s32 s19, $0xE;
	_ =	swait.ge [sflag:s30], $0x10000  }
.Ltmp0:
0xbf: {  	[sflag:s30] =	ssyncset.done $0x0;
	(pc) =	sbr.rel @p0 .LBB2_2-.Ltmp0, $4  }
0xc0: {  	s20 =	sadd.s32 $0x2000, s20;
	[sflag:s30] =	ssyncadd.s32 $0xFFFF0000  }
0xc1: {  	[hbm4b:s20+s2] =	stream.linear.scatter [tilespmem:s22], [sflag:$0x2], $0x10000, $0x38;
	[tilespmem:$0x10080] =	vst v63  }
0xc2: {  	_ =	swait.ge [sflag:s21], $0x10000  }
0xc3: {  	s19 =	sadd.s32 $0x2, s19;
	s1 =	rddreg [dreg:$0x2];
	[sflag:s21] =	ssyncset.done $0x0  }
0xc4: {  	[sflag:s21] =	ssyncadd.s32 $0xFFFF0000;
	s0 =	sadd.s32 s0, s1  }
0xc5: {  	[tilespmem:s2], [sflag:$0x2] =	stream.linear.gather [hbm4b:s0+s2], $0x10, $0x38;
	[tilespmem:$0x10080] =	vst v63  }
0xc6: {  	_ =	swait.ge [sflag:s21], $0x10  }
0xc7: {  	[sflag:s21] =	ssyncset.done $0x0  }
0xc8: {  	[sflag:s21] =	ssyncadd.s32 $0xFFFFFFF0  }
0xc9: {  	v3 =	vld [tilespmem:$0x0];
	_ =	sdelay $0x4  }
0xca: {  	v4 =	vshll.u32 v3, $0x5  }
0xcb: {  	v3 =	vand.u32 $0x7, v3;
	v4 =	vand.u32 $0xFFFFFF00, v4  }
0xcc: {  	v3 =	vor.u32 v3, v4  }
0xcd: {  	v4 =	vperm.xlane v3, v0;
	_ =	sdelay $0x1  }
0xce: {  	v4 =	vadd.s32 v1, v4;
	_ =	sdelay $0x4  }
0xcf: {  	[tilespmem:s22], [sflag:$0x1] =	stream.indirect_vreg.gather [hbm4b:s3+s2], $0x80, v4, vm0, $0xb8;
	[tilespmem:$0x10080] =	vst v63  }
0xd0: {  	s1 =	rddreg [dreg:$0x3]  }
0xd1: {  	[tilespmem:s1], [sflag:$0x1] =	stream.indirect_vreg.gather [hbm4b:s4+s2], $0x80, v4, vm0, $0xb8;
	[tilespmem:$0x10080] =	vst v63  }
0xd2: {  	s19 =	rddreg [dreg:$0x4]  }
0xd3: {  	[tilespmem:s19], [sflag:$0x1] =	stream.indirect_vreg.gather [hbm4b:s5+s2], $0x80, v4, vm0, $0xb8;
	[tilespmem:$0x10080] =	vst v63  }
0xd4: {  	s31 =	rddreg [dreg:$0x5]  }
0xd5: {  	[tilespmem:s31], [sflag:$0x1] =	stream.indirect_vreg.gather [hbm4b:s6+s2], $0x80, v4, vm0, $0xb8;
	[tilespmem:$0x10080] =	vst v63  }
0xd6: {  	s19 =	rddreg [dreg:$0x6]  }
0xd7: {  	[tilespmem:s19], [sflag:$0x1] =	stream.indirect_vreg.gather [hbm4b:s7+s2], $0x80, v4, vm0, $0xb8;
	[tilespmem:$0x10080] =	vst v63  }
0xd8: {  	s31 =	rddreg [dreg:$0x7]  }
0xd9: {  	[tilespmem:s31], [sflag:$0x1] =	stream.indirect_vreg.gather [hbm4b:s8+s2], $0x80, v4, vm0, $0xb8;
	[tilespmem:$0x10080] =	vst v63  }
0xda: {  	s19 =	rddreg [dreg:$0x8]  }
0xdb: {  	[tilespmem:s19], [sflag:$0x1] =	stream.indirect_vreg.gather [hbm4b:s9+s2], $0x80, v4, vm0, $0xb8;
	[tilespmem:$0x10080] =	vst v63  }
0xdc: {  	s31 =	rddreg [dreg:$0x9]  }
0xdd: {  	[tilespmem:s31], [sflag:$0x1] =	stream.indirect_vreg.gather [hbm4b:s10+s2], $0x80, v4, vm0, $0xb8;
	[tilespmem:$0x10080] =	vst v63  }
0xde: {  	s19 =	rddreg [dreg:$0xa]  }
0xdf: {  	[tilespmem:s19], [sflag:$0x1] =	stream.indirect_vreg.gather [hbm4b:s11+s2], $0x80, v4, vm0, $0xb8;
	[tilespmem:$0x10080] =	vst v63  }
0xe0: {  	s31 =	rddreg [dreg:$0xb]  }
0xe1: {  	[tilespmem:s31], [sflag:$0x1] =	stream.indirect_vreg.gather [hbm4b:s12+s2], $0x80, v4, vm0, $0xb8;
	[tilespmem:$0x10080] =	vst v63  }
0xe2: {  	s19 =	rddreg [dreg:$0xc]  }
0xe3: {  	[tilespmem:s19], [sflag:$0x1] =	stream.indirect_vreg.gather [hbm4b:s13+s2], $0x80, v4, vm0, $0xb8;
	[tilespmem:$0x10080] =	vst v63  }
0xe4: {  	s31 =	rddreg [dreg:$0xd]  }
0xe5: {  	[tilespmem:s31], [sflag:$0x1] =	stream.indirect_vreg.gather [hbm4b:s14+s2], $0x80, v4, vm0, $0xb8;
	[tilespmem:$0x10080] =	vst v63  }
0xe6: {  	s19 =	rddreg [dreg:$0xe]  }
0xe7: {  	[tilespmem:s19], [sflag:$0x1] =	stream.indirect_vreg.gather [hbm4b:s15+s2], $0x80, v4, vm0, $0xb8;
	[tilespmem:$0x10080] =	vst v63  }
0xe8: {  	v3 =	vperm.xlane v3, v2;
	s31 =	rddreg [dreg:$0xf]  }
0xe9: {  	[tilespmem:s31], [sflag:$0x1] =	stream.indirect_vreg.gather [hbm4b:s16+s2], $0x80, v4, vm0, $0xb8;
	[tilespmem:$0x10080] =	vst v63  }
0xea: {  	v3 =	vadd.s32 v1, v3;
	s19 =	rddreg [dreg:$0x10]  }
0xeb: {  	[tilespmem:s19], [sflag:$0x1] =	stream.indirect_vreg.gather [hbm4b:s17+s2], $0x80, v4, vm0, $0xb8;
	[tilespmem:$0x10080] =	vst v63  }
0xec: {  	s31 =	rddreg [dreg:$0x11]  }
0xed: {  	[tilespmem:s31], [sflag:$0x1] =	stream.indirect_vreg.gather [hbm4b:s18+s2], $0x80, v4, vm0, $0xb8;
	[tilespmem:$0x10080] =	vst v63  }
0xee: {  	s19 =	rddreg [dreg:$0x12]  }
0xef: {  	[tilespmem:s19], [sflag:$0x1] =	stream.indirect_vreg.gather [hbm4b:s3+s2], $0x80, v3, vm0, $0xb8;
	[tilespmem:$0x10080] =	vst v63  }
0xf0: {  	s31 =	rddreg [dreg:$0x13]  }
0xf1: {  	[tilespmem:s31], [sflag:$0x1] =	stream.indirect_vreg.gather [hbm4b:s4+s2], $0x80, v3, vm0, $0xb8;
	[tilespmem:$0x10080] =	vst v63  }
0xf2: {  	s19 =	rddreg [dreg:$0x14]  }
0xf3: {  	[tilespmem:s19], [sflag:$0x1] =	stream.indirect_vreg.gather [hbm4b:s5+s2], $0x80, v3, vm0, $0xb8;
	[tilespmem:$0x10080] =	vst v63  }
0xf4: {  	s31 =	rddreg [dreg:$0x15]  }
0xf5: {  	[tilespmem:s31], [sflag:$0x1] =	stream.indirect_vreg.gather [hbm4b:s6+s2], $0x80, v3, vm0, $0xb8;
	[tilespmem:$0x10080] =	vst v63  }
0xf6: {  	s19 =	rddreg [dreg:$0x16]  }
0xf7: {  	[tilespmem:s19], [sflag:$0x1] =	stream.indirect_vreg.gather [hbm4b:s7+s2], $0x80, v3, vm0, $0xb8;
	[tilespmem:$0x10080] =	vst v63  }
0xf8: {  	s31 =	rddreg [dreg:$0x17]  }
0xf9: {  	[tilespmem:s31], [sflag:$0x1] =	stream.indirect_vreg.gather [hbm4b:s8+s2], $0x80, v3, vm0, $0xb8;
	[tilespmem:$0x10080] =	vst v63  }
0xfa: {  	s19 =	rddreg [dreg:$0x18]  }
0xfb: {  	[tilespmem:s19], [sflag:$0x1] =	stream.indirect_vreg.gather [hbm4b:s9+s2], $0x80, v3, vm0, $0xb8;
	[tilespmem:$0x10080] =	vst v63  }
0xfc: {  	s31 =	rddreg [dreg:$0x19]  }
0xfd: {  	[tilespmem:s31], [sflag:$0x1] =	stream.indirect_vreg.gather [hbm4b:s10+s2], $0x80, v3, vm0, $0xb8;
	[tilespmem:$0x10080] =	vst v63  }
0xfe: {  	s19 =	rddreg [dreg:$0x1a]  }
0xff: {  	[tilespmem:s19], [sflag:$0x1] =	stream.indirect_vreg.gather [hbm4b:s11+s2], $0x80, v3, vm0, $0xb8;
	[tilespmem:$0x10080] =	vst v63  }
0x100: {  	s31 =	rddreg [dreg:$0x1b]  }
0x101: {  	[tilespmem:s31], [sflag:$0x1] =	stream.indirect_vreg.gather [hbm4b:s12+s2], $0x80, v3, vm0, $0xb8;
	[tilespmem:$0x10080] =	vst v63  }
0x102: {  	_ = 	snop  }
0x103: {  	[tilespmem:s23], [sflag:$0x1] =	stream.indirect_vreg.gather [hbm4b:s13+s2], $0x80, v3, vm0, $0xb8;
	[tilespmem:$0x10080] =	vst v63  }
0x104: {  	_ = 	snop  }
0x105: {  	[tilespmem:s24], [sflag:$0x1] =	stream.indirect_vreg.gather [hbm4b:s14+s2], $0x80, v3, vm0, $0xb8;
	[tilespmem:$0x10080] =	vst v63  }
0x106: {  	_ = 	snop  }
0x107: {  	[tilespmem:s25], [sflag:$0x1] =	stream.indirect_vreg.gather [hbm4b:s15+s2], $0x80, v3, vm0, $0xb8;
	[tilespmem:$0x10080] =	vst v63  }
0x108: {  	_ = 	snop  }
0x109: {  	[tilespmem:s26], [sflag:$0x1] =	stream.indirect_vreg.gather [hbm4b:s16+s2], $0x80, v3, vm0, $0xb8;
	[tilespmem:$0x10080] =	vst v63  }
0x10a: {  	_ = 	snop  }
0x10b: {  	[tilespmem:s28], [sflag:$0x1] =	stream.indirect_vreg.gather [hbm4b:s17+s2], $0x80, v3, vm0, $0xb8;
	[tilespmem:$0x10080] =	vst v63  }
0x10c: {  	_ = 	snop  }
0x10d: {  	[tilespmem:s29], [sflag:$0x1] =	stream.indirect_vreg.gather [hbm4b:s18+s2], $0x80, v3, vm0, $0xb8;
	[tilespmem:$0x10080] =	vst v63  }
0x10e: {  	_ =	swait.ge [sflag:s30], $0x10000  }
0x10f: {  	[sflag:s30] =	ssyncset.done $0x0  }
0x110: {  	s19 =	sadd.s32 $0x2000, s20;
	[sflag:s30] =	ssyncadd.s32 $0xFFFF0000  }
0x111: {  	[hbm4b:s19+s2] =	stream.linear.scatter [tilespmem:s22], [sflag:$0x2], $0x10000, $0x38;
	[tilespmem:$0x10080] =	vst v63  }
0x112: {  	_ =	swait.ge [sflag:s21], $0x10000  }
0x113: {  	s20 =	rddreg [dreg:$0x1e]  }
0x114: {  	s31 =	rddreg [dreg:$0x1c];
	s1 =	sadd.s32 $0x1, s20  }
0x115: {  	p0 =	sne.s32 s1, s31  }
.Ltmp1:
0x116: {  	_ = 	snop;
	(pc) =	sbr.rel @p0 .LBB2_1-.Ltmp1, $3  }
0x117: {  	_ =	sdelay $0x1  }
0x118: {  	[sflag:s21] =	ssyncset.done $0x0  }
0x119: {  	[sflag:s21] =	ssyncadd.s32 $0xFFFF0000  }
0x11a: {  	_ =	sfence.sel $0x180000  }
0x11b: {  	[bflag:$0x0] =	sbarrier.arrive $0xFFFF  }
0x11c: {  	_ =	strace $0x9000004D  }
0x11d: {  	s0 =	stileid.u32;
	[bflag:$0x2] =	sbarrier.arrive $0xFFFF  }
0x11e: {  	p0 =	sne.s32 s0, $0x0;
	s0 =	rddreg [dreg:$0x1]  }
0x11f: {  	s0 =	sadd.s32 @!p0 $0x100000, s0  }
0x120: {  	[sflag:s0] =	ssyncadd.tile.s32 @!p0 $0x1;
	_ =	shalt  }
.Lfunc_end2:
_tile_overlayer_lowered:
.L_overlay_start_2:
0x121: {  	(tag) =	ssettag $0x2  }
0x122: {  	s0 =	rddreg [dreg:$0x0];
	s2 =	stileid.u32  }
0x123: {  	s1 =	rddreg [dreg:$0x1];
	p0 =	sne.s32 s2, $0x0  }
0x124: {  	s3 =	rddreg [dreg:$0x2];
	[bflag:$0x3] =	sbarrier.arrive $0xFFFF;
	s2 =	simm.s32 @!p0 $0x1C02  }
0x125: {  	[timem:s3], [sflag:s2] =	dma.local @!p0 [hbm:s0], s1  }
0x126: {  	s0 =	simm.s32 @!p0 $0x2  }
0x127: {  	_ =	swait.ge @!p0 [sflag:s0], s1  }
0x128: {  	s1 =	ssub.s32 @!p0 $0x0, s1;
	[sflag:s0] =	ssyncset.done @!p0 $0x0  }
0x129: {  	[sflag:s0] =	ssyncadd.s32 @!p0 s1  }
0x12a: {  	[bflag:$0x3] =	sbarrier.arrive $0xFFFF  }
0x12b: {  	_ =	shalt  }

// kernel: kernel.7.cloned.1.call-start
scs
__scs_entry_jumppad:
0x0: {  	(pc) =	sbr.rel $0x88, $3  }
0x1: {  	(tag) =	ssettag $0x0;
	lr =	simm.s32 $0x1  }
0x2: {  	[smem:$0x3F9C] =	sst lr;
	_ =	strace $0xD0000000  }
0x3: {  	_ = 	snop  }
0x4: {  	_ = 	snop  }
0x5: {  	_ = 	snop  }
0x6: {  	_ = 	snop  }
0x7: {  	_ = 	snop  }
__scs_overlays_trampoline_lowered:
0x8: {  	[smem:$0x3FAB] =	sst s0  }
0x9: {  	[smem:$0x3FAC] =	sst s1  }
0xa: {  	[smem:$0x3FAD] =	sst s2  }
0xb: {  	[smem:$0x3FAE] =	sst s3  }
0xc: {  	[smem:$0x3FAF] =	sst s4  }
0xd: {  	[smem:$0x3FB0] =	sst s5  }
0xe: {  	[smem:$0x3FB1] =	sst s6  }
0xf: {  	[smem:$0x3FB2] =	sst s7  }
0x10: {  	[smem:$0x3FB3] =	sst s8  }
0x11: {  	[smem:$0x3FB4] =	sst s9;
	s0 =	simm.s32 @!p0 $0x0  }
0x12: {  	s1 =	sld [smem:$0x3F9A];
	s0 =	simm.s32 @p0 $0x1  }
0x13: {  	[smem:$0x3FB5] =	sst s0;
	s0 =	simm.s32 @!p1 $0x0  }
0x14: {  	s2 =	sld [smem:$0x3F99];
	s0 =	simm.s32 @p1 $0x1  }
0x15: {  	[smem:$0x3FB6] =	sst s0;
	s0 =	simm.s32 @!p2 $0x0  }
0x16: {  	s3 =	sld [smem:$0x3FDB];
	s0 =	simm.s32 @p2 $0x1  }
0x17: {  	s4 =	simm.s32 $0x1BF5;
	[smem:$0x3FB8] =	sst s0  }
0x18: {  	s0 =	sld [smem:$0x3F9B];
	_ =	swait.ge [sflag:s4], $0x0  }
0x19: {  	s7 =	sld [smem:$0x3F9C]  }
0x1a: {  	s8 =	sadd.s32 $0xFFFFE003, lr  }
0x1b: {  	s9 =	sadd.s32 $0xFFFFFEF7, lr;
	s5 =	simm.s32 $0xFFFFFFFF;
	p2 =	slt.u32 s8, $0xFFFFF086  }
0x1c: {  	p1 =	slt.u32 s9, $0xF7A;
	s5 =	simm.s32 @!p2 $0x0  }
0x1d: {  	s5 =	simm.s32 @p1 $0x1;
	p0 =	seq.s32 s7, s2  }
0x1e: {  	s7 =	smul.u32 @!p0 $0xF7A, s2;
	p2 =	seq.s32 @!p0 s5, $0x0  }
0x1f: {  	s9 =	smul.u32 $0xF7A, s1;
	s8 =	simm.s32 @!p0 $0x1BF5;
	p2 =	por !p2, p0  }
0x20: {  	[sflag:s8] =	ssyncset.s32 @!p0 $0xFFFFF086;
	s6 =	sadd.s32 @!p0 s3, s7;
	s7 =	simm.s32 @!p0 $0x108  }
0x21: {  	s3 =	sadd.s32 s3, s9;
	s6 =	sadd.s32 @!p0 $0x88, s6;
	s7 =	simm.s32 @p2 $0x1082  }
0x22: {  	[simem:s7], [sflag:s8] =	dma.local @!p0 [hbm:s6], $0xF7A  }
0x23: {  	s9 =	sor.u32 $0xD0000000, s2;
	s6 =	simm.s32 $0x108;
	_ =	swait.ge @!p0 [sflag:s8], $0x0  }
0x24: {  	s3 =	sadd.s32 $0x88, s3;
	s6 =	simm.s32 @!p1 $0x1082;
	[sflag:s4] =	ssyncset.s32 $0xFFFFF086  }
0x25: {  	[simem:s6], [sflag:s4] =	dma.local [hbm:s3], $0xF7A  }
0x26: {  	[smem:$0x3F9C] =	sst s1;
	(tag) =	ssettag s2;
	_ =	strace s9  }
0x27: {  	s1 =	sld [smem:$0x3FAC]  }
0x28: {  	s2 =	sld [smem:$0x3FAD]  }
0x29: {  	s4 =	sld [smem:$0x3FAF]  }
0x2a: {  	p0 =	seq.s32 s5, $0x0;
	s5 =	sld [smem:$0x3FB0]  }
0x2b: {  	s6 =	sld [smem:$0x3FB1]  }
0x2c: {  	s7 =	sld [smem:$0x3FB2]  }
0x2d: {  	s3 =	simm.s32 $0x108;
	s8 =	sld [smem:$0x3FB3]  }
0x2e: {  	s3 =	simm.s32 @!p0 $0x1082;
	s9 =	sld [smem:$0x3FB4]  }
0x2f: {  	lr =	sadd.s32 s0, s3;
	s0 =	sld [smem:$0x3FAB]  }
0x30: {  	s3 =	sld [smem:$0x3FAE]  }
0x31: {  	[smem:$0x3FB7] =	sst s10  }
0x32: {  	s10 =	sld [smem:$0x3FB5];
	_ =	sdelay $0x3  }
0x33: {  	p0 =	seq.s32 s10, $0x1;
	s10 =	sld [smem:$0x3FB7];
	_ =	sdelay $0x3  }
0x34: {  	[smem:$0x3FB7] =	sst s10  }
0x35: {  	s10 =	sld [smem:$0x3FB6];
	_ =	sdelay $0x3  }
0x36: {  	p1 =	seq.s32 s10, $0x1;
	s10 =	sld [smem:$0x3FB7];
	_ =	sdelay $0x3  }
0x37: {  	[smem:$0x3FB7] =	sst s10  }
0x38: {  	s10 =	sld [smem:$0x3FB8]  }
0x39: {  	_ = 	snop;
	(pc) =	sbr.ind lr, $3  }
0x3a: {  	_ = 	snop  }
0x3b: {  	_ = 	snop  }
0x3c: {  	p2 =	seq.s32 s10, $0x1;
	s10 =	sld [smem:$0x3FB7]  }
0x3d: {  	_ =	shalt  }
0x3e: {  	_ =	shalt  }
0x3f: {  	_ =	shalt  }
0x40: {  	_ =	shalt  }
0x41: {  	_ =	shalt  }
0x42: {  	_ =	shalt  }
0x43: {  	_ =	shalt  }
0x44: {  	_ =	shalt  }
0x45: {  	_ =	shalt  }
0x46: {  	_ =	shalt  }
0x47: {  	_ =	shalt  }
0x48: {  	_ =	shalt  }
0x49: {  	_ =	shalt  }
0x4a: {  	_ =	shalt  }
0x4b: {  	_ =	shalt  }
0x4c: {  	_ =	shalt  }
0x4d: {  	_ =	shalt  }
0x4e: {  	_ =	shalt  }
0x4f: {  	_ =	shalt  }
0x50: {  	_ =	shalt  }
0x51: {  	_ =	shalt  }
0x52: {  	_ =	shalt  }
0x53: {  	_ =	shalt  }
0x54: {  	_ =	shalt  }
0x55: {  	_ =	shalt  }
0x56: {  	_ =	shalt  }
0x57: {  	_ =	shalt  }
0x58: {  	_ =	shalt  }
0x59: {  	_ =	shalt  }
0x5a: {  	_ =	shalt  }
0x5b: {  	_ =	shalt  }
0x5c: {  	_ =	shalt  }
0x5d: {  	_ =	shalt  }
0x5e: {  	_ =	shalt  }
0x5f: {  	_ =	shalt  }
0x60: {  	_ =	shalt  }
0x61: {  	_ =	shalt  }
0x62: {  	_ =	shalt  }
0x63: {  	_ =	shalt  }
0x64: {  	_ =	shalt  }
0x65: {  	_ =	shalt  }
0x66: {  	_ =	shalt  }
0x67: {  	_ =	shalt  }
0x68: {  	_ =	shalt  }
0x69: {  	_ =	shalt  }
0x6a: {  	_ =	shalt  }
0x6b: {  	_ =	shalt  }
0x6c: {  	_ =	shalt  }
0x6d: {  	_ =	shalt  }
0x6e: {  	_ =	shalt  }
0x6f: {  	_ =	shalt  }
0x70: {  	_ =	shalt  }
0x71: {  	_ =	shalt  }
0x72: {  	_ =	shalt  }
0x73: {  	_ =	shalt  }
0x74: {  	_ =	shalt  }
0x75: {  	_ =	shalt  }
0x76: {  	_ =	shalt  }
0x77: {  	_ =	shalt  }
0x78: {  	_ =	shalt  }
0x79: {  	_ =	shalt  }
0x7a: {  	_ =	shalt  }
0x7b: {  	_ =	shalt  }
0x7c: {  	_ =	shalt  }
0x7d: {  	_ =	shalt  }
0x7e: {  	_ =	shalt  }
0x7f: {  	_ =	shalt  }
0x80: {  	_ =	shalt  }
0x81: {  	_ =	shalt  }
0x82: {  	_ =	shalt  }
0x83: {  	_ =	shalt  }
0x84: {  	_ =	shalt  }
0x85: {  	_ =	shalt  }
0x86: {  	_ =	shalt  }
0x87: {  	_ =	shalt  }
.Lfunc_end0:
.L_simem_size_0:
called_computation.1_lowered:
.L_overlay_start_0:
0x88: {  	s2 =	sld [smem:$0x3FD9]  }
0x89: {  	s3 =	sld [smem:$0x3FFE];
	_ =	sdelay $0x1  }
0x8a: {  	s1 =	srdreg.scid  }
0x8b: {  	s0 =	sand.u32 $0x1, s1  }
0x8c: {  	s17 =	sshll.u32 s0, $0xA;
	s2 =	sadd.s32 s3, s2  }
0x8d: {  	s2 =	sadd.s32 s2, s17  }
0x8e: {  	[smem:$0x3FC3] =	sst s2  }
0x8f: {  	_ = 	snop  }
0x90: {  	s2 =	sld [smem:$0x3FC9]  }
0x91: {  	s18 =	sld [smem:$0x3FD0];
	(tm) =	ssettm $0x1  }
0x92: {  	s4 =	sld [smem:$0x3FFB];
	_ =	sdelay $0x3  }
0x93: {  	_ =	strace s4  }
0x94: {  	s4 =	sld [smem:$0x3FFC];
	_ =	sdelay $0x3  }
0x95: {  	_ =	strace s4  }
0x96: {  	s4 =	sld [smem:$0x3FFD];
	_ =	sdelay $0x3  }
0x97: {  	_ =	strace s4  }
0x98: {  	_ =	strace $0x8FFFFFFF  }
0x99: {  	s19 =	sld [smem:$0x3FDB];
	_ =	sdelay $0x1  }
0x9a: {  	s5 =	simm.s32 $_scs_section_size  }
0x9b: {  	s6 =	simm.s32 $_size__tile_overlayer_lowered;
	s7 =	simm.s32 $_tile_overlayer_lowered  }
0x9c: {  	s22 =	simm.s32 $0x1BFF;
	s21 =	sshll.u32 s7, $0x1;
	s4 =	sadd.s32 s5, s19  }
0x9d: {  	s8 =	simm.s32 $0x0;
	s20 =	sshll.u32 s6, $0x1;
	s6 =	sadd.s32 s21, s4  }
0x9e: {  	[timem:s8], [sflag:s22] =	dma.local [hbm:s6], s20  }
0x9f: {  	_ =	swait.ge [sflag:s22], s20  }
0xa0: {  	s5 =	ssub.s32 $0x0, s20;
	[sflag:s22] =	ssyncset.done $0x0  }
0xa1: {  	[sflag:s22] =	ssyncadd.s32 s5;
	_ =	sdelay $0x1  }
0xa2: {  	s23 =	simm.s32 $0x1B8B  }
0xa3: {  	_ =	swait.ge [sflag:s23], $0x1  }
0xa4: {  	[sflag:s23] =	ssyncset.done $0x0  }
0xa5: {  	s25 =	simm.s32 $0x1B8E;
	s24 =	sld [smem:$0x3FFE];
	[sflag:s23] =	ssyncadd.s32 $0xFFFFFFFF  }
0xa6: {  	s26 =	simm.s32 $execute0_lowered;
	[smem:$0x3FD2] =	sst s25  }
0xa7: {  	s6 =	sshll.u32 s26, $0x1;
	_ =	strace $0x80000049;
	[dreg:$0x1] =	wrdreg $0xFFFFFFFF  }
0xa8: {  	s28 =	simm.s32 $_size_execute0_lowered;
	s4 =	sadd.s32 s4, s6;
	[dreg:$0x0] =	wrdreg $0x0  }
0xa9: {  	s6 =	sshll.u32 s28, $0x1;
	[dreg:$0x2] =	wrdreg s4  }
0xaa: {  	[dreg:$0x3] =	wrdreg s6  }
0xab: {  	[dreg:$0x4] =	wrdreg $0xC0  }
0xac: {  	_ =	task [dreg:s8], $0x5FFFF  }
0xad: {  	[dreg:$0x1] =	wrdreg $0xFFFFFFFF  }
0xae: {  	[dreg:$0x0] =	wrdreg $0x60  }
0xaf: {  	[dreg:$0x2] =	wrdreg s24  }
0xb0: {  	[dreg:$0x3] =	wrdreg s2  }
0xb1: {  	[dreg:$0x4] =	wrdreg s18  }
0xb2: {  	[dreg:$0x5] =	wrdreg $0x9  }
0xb3: {  	_ =	task.clear_ibuf [dreg:s8], $0x6FFFF;
	_ =	strace $0x90000049  }
0xb4: {  	s29 =	simm.s32 $0x9;
	_ =	strace $0x8000004B  }
0xb5: {  	_ =	swait.ge [sflag:s29], $0x1  }
0xb6: {  	[sflag:s29] =	ssyncadd.s32 $0xFFFFFFFF  }
0xb7: {  	_ =	strace $0x9000004B  }
0xb8: {  	_ =	sfence  }
0xb9: {  	s30 =	sld [smem:$0x0];
	_ =	sdelay $0x2  }
0xba: {  	s31 =	sshll.u32 s1, $0xD;
	s1 =	sshrl.u32 s1, $0x2  }
0xbb: {  	s3 =	sand.u32 $0x4000, s31;
	s1 =	sadd.s32 s1, s30  }
0xbc: {  	s0 =	sor.u32 s3, s0;
	s1 =	sshll.u32 s1, $0x11  }
0xbd: {  	s0 =	sor.u32 s1, s0  }
0xbe: {  	s0 =	sadd.s32 $0x8F2B, s0  }
0xbf: {  	[sflag:s0] =	ssyncadd.remote.s32 $0x1  }
0xc0: {  	_ =	sfence.sel $0xFFFF  }
0xc1: {  	[dreg:$0x0] =	wrdreg $0xFFFFFFFF;
	(pc) =	sbr.abs _section_cstart, $3  }
0xc2: {  	[dreg:$0x1] =	wrdreg $0xFFFFFFFF  }
0xc3: {  	_ =	task.clear_ibuf [dreg:s8], $0x2FFFF;
	_ =	strace $0x9FFFFFFF  }
0xc4: {  	(tm) =	ssettm $0x7FFFFFFF  }
0xc5: {  	_ =	shalt  }
tec
execute0_lowered:
.L_overlay_start_1:
0x0: {  	(tag) =	ssettag $0x1  }
0x1: {  	s0 =	rddreg [dreg:$0x0];
	s1 =	srdreg.scid  }
0x2: {  	s4 =	rddreg [dreg:$0x1];
	s3 =	stileid.u32  }
0x3: {  	s2 =	rddreg [dreg:$0x2];
	s10 =	simm.s32 $0x2;
	s28 =	simm.s32 $0x1100  }
0x4: {  	s29 =	simm.s32 $0x1900;
	s30 =	simm.s32 $0x2100;
	s31 =	simm.s32 $0x2900  }
0x5: {  	s11 =	simm.s32 $0x4900;
	s13 =	simm.s32 $0x5100;
	s14 =	simm.s32 $0x5900  }
0x6: {  	s15 =	simm.s32 $0x6100;
	s16 =	simm.s32 $0x6900;
	s17 =	simm.s32 $0x7100  }
0x7: {  	s18 =	simm.s32 $0x7900;
	s19 =	simm.s32 $0x8100;
	s20 =	simm.s32 $0x8900  }
0x8: {  	s21 =	simm.s32 $0x9100;
	s12 =	simm.s32 $0xA100;
	s1 =	sand.u32 $0x1, s1  }
0x9: {  	s5 =	sshll.u32 s3, $0x7;
	s3 =	simm.s32 $0x0;
	s8 =	sadd.s32 $0x300, s2  }
0xa: {  	s6 =	sshll.u32 s1, $0x6;
	[smem:$0x7FF] =	sst s3;
	s1 =	ssub.s32 $0x2, s1  }
0xb: {  	s5 =	sor.u32 s6, s5;
	_ =	strace $0x8000004A;
	s23 =	sshrl.u32 s1, $0x1  }
0xc: {  	s6 =	sshll.u32 s5, $0x4;
	s7 =	sshrl.u32 s5, $0x3;
	s5 =	sshll.u32 s5, $0x7  }
0xd: {  	s24 =	ssub.s32 s1, s23;
	s23 =	simm.s32 $0xB100;
	s22 =	sadd.s32 s0, s7  }
0xe: {  	s9 =	sadd.s32 s6, s0;
	s0 =	sadd.s32 $0x10400, s0;
	[dreg:$0x8] =	wrdreg s22  }
0xf: {  	s4 =	sadd.s32 s4, s5;
	s7 =	sadd.s32 $0x200, s2;
	[dreg:$0x9] =	wrdreg s0  }
0x10: {  	s6 =	sadd.s32 $0x200, s22;
	[dreg:$0x5] =	wrdreg s4;
	s25 =	sadd.s32 $0x8400, s9  }
0x11: {  	v2 =	vlaneseq.u32;
	s26 =	sadd.s32 $0x400, s9;
	s9 =	smax.u32 s24, $0x1;
	[dreg:$0x4] =	wrdreg s6  }
0x12: {  	vm0 =	vmmov $0xffff;
	v1 =	vshrl.u32 v2, $0x3;
	s22 =	simm.s32 $0x1;
	s24 =	simm.s32 $0x9900;
	[dreg:$0x6] =	wrdreg s25  }
0x13: {  	v0 =	vand.u32 $0x7, v2;
	v2 =	vor.u32 $0x8, v2;
	v1 =	vmul.u32 $0x8, v1;
	s6 =	sadd.s32 $0x100, s2;
	[dreg:$0x7] =	wrdreg s26;
	s26 =	simm.s32 $0xA900  }
.LBB2_1:
0x14: {  	s25 =	rddreg [dreg:$0x8]  }
0x15: {  	[tilespmem:s3], [sflag:$0x2] =	stream.linear.gather [hbm4b:s25+s3], $0x40, $0x38;
	[tilespmem:$0x12100] =	vst v63  }
0x16: {  	_ =	swait.ge [sflag:s10], $0x40  }
0x17: {  	[sflag:s10] =	ssyncset.done $0x0  }
0x18: {  	s0 =	simm.s32 $0x80;
	s5 =	rddreg [dreg:$0x4];
	[sflag:s10] =	ssyncadd.s32 $0xFFFFFFC0  }
0x19: {  	[tilespmem:s0], [sflag:$0x2] =	stream.linear.gather [hbm4b:s5+s3], $0x40, $0x38;
	[tilespmem:$0x12100] =	vst v63  }
0x1a: {  	_ =	swait.ge [sflag:s10], $0x40  }
0x1b: {  	[sflag:s10] =	ssyncset.done $0x0  }
0x1c: {  	s5 =	simm.s32 $0x100;
	s1 =	rddreg [dreg:$0x5];
	[sflag:s10] =	ssyncadd.s32 $0xFFFFFFC0  }
0x1d: {  	[tilespmem:s5], [sflag:$0x2] =	stream.linear.gather [hbm4b:s1+s3], $0x10000, $0x38;
	[tilespmem:$0x12100] =	vst v63  }
0x1e: {  	_ =	swait.ge [sflag:s10], $0x10000  }
0x1f: {  	[sflag:s10] =	ssyncset.done $0x0  }
0x20: {  	[sflag:s10] =	ssyncadd.s32 $0xFFFF0000  }
0x21: {  	v3 =	vld [tilespmem:$0x0];
	_ =	sdelay $0x4  }
0x22: {  	v4 =	vshll.u32 v3, $0x3  }
0x23: {  	v3 =	vand.u32 $0x7, v3;
	v4 =	vand.u32 $0xFFFFFFC0, v4  }
0x24: {  	v3 =	vor.u32 v3, v4  }
0x25: {  	v4 =	vperm.xlane v3, v0;
	_ =	sdelay $0x1  }
0x26: {  	v4 =	vadd.s32 v1, v4;
	_ =	sdelay $0x4  }
0x27: {  	[hbm4b:s2+s3] =	stream.indirect_vreg.scatter [tilespmem:s5], [sflag:$0x1], $0x80, v4, vm0, $0xb8;
	[tilespmem:$0x12100] =	vst v63  }
0x28: {  	s25 =	simm.s32 $0x900;
	v3 =	vperm.xlane v3, v2  }
0x29: {  	[hbm4b:s6+s3] =	stream.indirect_vreg.scatter [tilespmem:s25], [sflag:$0x1], $0x80, v4, vm0, $0xb8;
	[tilespmem:$0x12100] =	vst v63  }
0x2a: {  	v3 =	vadd.s32 v1, v3  }
0x2b: {  	[hbm4b:s7+s3] =	stream.indirect_vreg.scatter [tilespmem:s28], [sflag:$0x1], $0x80, v4, vm0, $0xb8;
	[tilespmem:$0x12100] =	vst v63  }
0x2c: {  	_ = 	snop  }
0x2d: {  	[hbm4b:s8+s3] =	stream.indirect_vreg.scatter [tilespmem:s29], [sflag:$0x1], $0x80, v4, vm0, $0xb8;
	[tilespmem:$0x12100] =	vst v63  }
0x2e: {  	_ = 	snop  }
0x2f: {  	[hbm4b:s2+s3] =	stream.indirect_vreg.scatter [tilespmem:s30], [sflag:$0x1], $0x80, v3, vm0, $0xb8;
	[tilespmem:$0x12100] =	vst v63  }
0x30: {  	_ = 	snop  }
0x31: {  	[hbm4b:s6+s3] =	stream.indirect_vreg.scatter [tilespmem:s31], [sflag:$0x1], $0x80, v3, vm0, $0xb8;
	[tilespmem:$0x12100] =	vst v63  }
0x32: {  	s1 =	simm.s32 $0x3100  }
0x33: {  	[hbm4b:s7+s3] =	stream.indirect_vreg.scatter [tilespmem:s1], [sflag:$0x1], $0x80, v3, vm0, $0xb8;
	[tilespmem:$0x12100] =	vst v63  }
0x34: {  	s4 =	simm.s32 $0x3900  }
0x35: {  	[hbm4b:s8+s3] =	stream.indirect_vreg.scatter [tilespmem:s4], [sflag:$0x1], $0x80, v3, vm0, $0xb8;
	[tilespmem:$0x12100] =	vst v63  }
0x36: {  	v3 =	vld [tilespmem:$0x10];
	_ =	sdelay $0x4  }
0x37: {  	v57 =	vshll.u32 v3, $0x3  }
0x38: {  	v3 =	vand.u32 $0x7, v3;
	v4 =	vand.u32 $0xFFFFFFC0, v57  }
0x39: {  	v3 =	vor.u32 v3, v4  }
0x3a: {  	v4 =	vperm.xlane v3, v0;
	_ =	sdelay $0x1  }
0x3b: {  	v4 =	vadd.s32 v1, v4;
	_ =	sdelay $0x3  }
0x3c: {  	s4 =	simm.s32 $0x4100  }
0x3d: {  	[hbm4b:s2+s3] =	stream.indirect_vreg.scatter [tilespmem:s4], [sflag:$0x1], $0x80, v4, vm0, $0xb8;
	[tilespmem:$0x12100] =	vst v63  }
0x3e: {  	v3 =	vperm.xlane v3, v2  }
0x3f: {  	[hbm4b:s6+s3] =	stream.indirect_vreg.scatter [tilespmem:s11], [sflag:$0x1], $0x80, v4, vm0, $0xb8;
	[tilespmem:$0x12100] =	vst v63  }
0x40: {  	v3 =	vadd.s32 v1, v3  }
0x41: {  	[hbm4b:s7+s3] =	stream.indirect_vreg.scatter [tilespmem:s13], [sflag:$0x1], $0x80, v4, vm0, $0xb8;
	[tilespmem:$0x12100] =	vst v63  }
0x42: {  	_ = 	snop  }
0x43: {  	[hbm4b:s8+s3] =	stream.indirect_vreg.scatter [tilespmem:s14], [sflag:$0x1], $0x80, v4, vm0, $0xb8;
	[tilespmem:$0x12100] =	vst v63  }
0x44: {  	_ = 	snop  }
0x45: {  	[hbm4b:s2+s3] =	stream.indirect_vreg.scatter [tilespmem:s15], [sflag:$0x1], $0x80, v3, vm0, $0xb8;
	[tilespmem:$0x12100] =	vst v63  }
0x46: {  	_ = 	snop  }
0x47: {  	[hbm4b:s6+s3] =	stream.indirect_vreg.scatter [tilespmem:s16], [sflag:$0x1], $0x80, v3, vm0, $0xb8;
	[tilespmem:$0x12100] =	vst v63  }
0x48: {  	_ = 	snop  }
0x49: {  	[hbm4b:s7+s3] =	stream.indirect_vreg.scatter [tilespmem:s17], [sflag:$0x1], $0x80, v3, vm0, $0xb8;
	[tilespmem:$0x12100] =	vst v63  }
0x4a: {  	_ = 	snop  }
0x4b: {  	[hbm4b:s8+s3] =	stream.indirect_vreg.scatter [tilespmem:s18], [sflag:$0x1], $0x80, v3, vm0, $0xb8;
	[tilespmem:$0x12100] =	vst v63  }
0x4c: {  	v3 =	vld [tilespmem:$0x20];
	_ =	sdelay $0x4  }
0x4d: {  	v58 =	vshll.u32 v3, $0x3  }
0x4e: {  	v3 =	vand.u32 $0x7, v3;
	v4 =	vand.u32 $0xFFFFFFC0, v58  }
0x4f: {  	v3 =	vor.u32 v3, v4  }
0x50: {  	v4 =	vperm.xlane v3, v0;
	_ =	sdelay $0x1  }
0x51: {  	v4 =	vadd.s32 v1, v4;
	_ =	sdelay $0x4  }
0x52: {  	[hbm4b:s2+s3] =	stream.indirect_vreg.scatter [tilespmem:s19], [sflag:$0x1], $0x80, v4, vm0, $0xb8;
	[tilespmem:$0x12100] =	vst v63  }
0x53: {  	v3 =	vperm.xlane v3, v2  }
0x54: {  	[hbm4b:s6+s3] =	stream.indirect_vreg.scatter [tilespmem:s20], [sflag:$0x1], $0x80, v4, vm0, $0xb8;
	[tilespmem:$0x12100] =	vst v63  }
0x55: {  	v3 =	vadd.s32 v1, v3  }
0x56: {  	[hbm4b:s7+s3] =	stream.indirect_vreg.scatter [tilespmem:s21], [sflag:$0x1], $0x80, v4, vm0, $0xb8;
	[tilespmem:$0x12100] =	vst v63  }
0x57: {  	_ = 	snop  }
0x58: {  	[hbm4b:s8+s3] =	stream.indirect_vreg.scatter [tilespmem:s24], [sflag:$0x1], $0x80, v4, vm0, $0xb8;
	[tilespmem:$0x12100] =	vst v63  }
0x59: {  	_ = 	snop  }
0x5a: {  	[hbm4b:s2+s3] =	stream.indirect_vreg.scatter [tilespmem:s12], [sflag:$0x1], $0x80, v3, vm0, $0xb8;
	[tilespmem:$0x12100] =	vst v63  }
0x5b: {  	_ = 	snop  }
0x5c: {  	[hbm4b:s6+s3] =	stream.indirect_vreg.scatter [tilespmem:s26], [sflag:$0x1], $0x80, v3, vm0, $0xb8;
	[tilespmem:$0x12100] =	vst v63  }
0x5d: {  	_ = 	snop  }
0x5e: {  	[hbm4b:s7+s3] =	stream.indirect_vreg.scatter [tilespmem:s23], [sflag:$0x1], $0x80, v3, vm0, $0xb8;
	[tilespmem:$0x12100] =	vst v63  }
0x5f: {  	s0 =	simm.s32 $0xB900  }
0x60: {  	[hbm4b:s8+s3] =	stream.indirect_vreg.scatter [tilespmem:s0], [sflag:$0x1], $0x80, v3, vm0, $0xb8;
	[tilespmem:$0x12100] =	vst v63  }
0x61: {  	v3 =	vld [tilespmem:$0x30];
	_ =	sdelay $0x4  }
0x62: {  	v59 =	vshll.u32 v3, $0x3  }
0x63: {  	v3 =	vand.u32 $0x7, v3;
	v4 =	vand.u32 $0xFFFFFFC0, v59  }
0x64: {  	v3 =	vor.u32 v3, v4  }
0x65: {  	v4 =	vperm.xlane v3, v0;
	_ =	sdelay $0x1  }
0x66: {  	v4 =	vadd.s32 v1, v4;
	_ =	sdelay $0x3  }
0x67: {  	s0 =	simm.s32 $0xC100  }
0x68: {  	[hbm4b:s2+s3] =	stream.indirect_vreg.scatter [tilespmem:s0], [sflag:$0x1], $0x80, v4, vm0, $0xb8;
	[tilespmem:$0x12100] =	vst v63  }
0x69: {  	v3 =	vperm.xlane v3, v2;
	s0 =	simm.s32 $0xC900  }
0x6a: {  	[hbm4b:s6+s3] =	stream.indirect_vreg.scatter [tilespmem:s0], [sflag:$0x1], $0x80, v4, vm0, $0xb8;
	[tilespmem:$0x12100] =	vst v63  }
0x6b: {  	v3 =	vadd.s32 v1, v3;
	s0 =	simm.s32 $0xD100  }
0x6c: {  	[hbm4b:s7+s3] =	stream.indirect_vreg.scatter [tilespmem:s0], [sflag:$0x1], $0x80, v4, vm0, $0xb8;
	[tilespmem:$0x12100] =	vst v63  }
0x6d: {  	s0 =	simm.s32 $0xD900  }
0x6e: {  	[hbm4b:s8+s3] =	stream.indirect_vreg.scatter [tilespmem:s0], [sflag:$0x1], $0x80, v4, vm0, $0xb8;
	[tilespmem:$0x12100] =	vst v63  }
0x6f: {  	s0 =	simm.s32 $0xE100  }
0x70: {  	[hbm4b:s2+s3] =	stream.indirect_vreg.scatter [tilespmem:s0], [sflag:$0x1], $0x80, v3, vm0, $0xb8;
	[tilespmem:$0x12100] =	vst v63  }
0x71: {  	s0 =	simm.s32 $0xE900  }
0x72: {  	[hbm4b:s6+s3] =	stream.indirect_vreg.scatter [tilespmem:s0], [sflag:$0x1], $0x80, v3, vm0, $0xb8;
	[tilespmem:$0x12100] =	vst v63  }
0x73: {  	s0 =	simm.s32 $0xF100  }
0x74: {  	[hbm4b:s7+s3] =	stream.indirect_vreg.scatter [tilespmem:s0], [sflag:$0x1], $0x80, v3, vm0, $0xb8;
	[tilespmem:$0x12100] =	vst v63  }
0x75: {  	s0 =	simm.s32 $0xF900  }
0x76: {  	[hbm4b:s8+s3] =	stream.indirect_vreg.scatter [tilespmem:s0], [sflag:$0x1], $0x80, v3, vm0, $0xb8;
	[tilespmem:$0x12100] =	vst v63  }
0x77: {  	_ =	swait.ge [sflag:s22], $0x10000  }
0x78: {  	[sflag:s22] =	ssyncset.done $0x0  }
0x79: {  	[sflag:s22] =	ssyncadd.s32 $0xFFFF0000  }
0x7a: {  	v3 =	vld [tilespmem:$0x80];
	_ =	sdelay $0x4  }
0x7b: {  	v60 =	vshll.u32 v3, $0x3  }
0x7c: {  	v3 =	vand.u32 $0x7, v3;
	v4 =	vand.u32 $0xFFFFFFC0, v60  }
0x7d: {  	v3 =	vor.u32 v3, v4  }
0x7e: {  	v4 =	vperm.xlane v3, v0;
	_ =	sdelay $0x1  }
0x7f: {  	v4 =	vadd.s32 v1, v4;
	_ =	sdelay $0x4  }
0x80: {  	[hbm4b:s2+s3] =	stream.indirect_vreg.scatter [tilespmem:s5], [sflag:$0x1], $0x80, v4, vm0, $0xb8;
	[tilespmem:$0x12100] =	vst v63  }
0x81: {  	v3 =	vperm.xlane v3, v2  }
0x82: {  	[hbm4b:s6+s3] =	stream.indirect_vreg.scatter [tilespmem:s25], [sflag:$0x1], $0x80, v4, vm0, $0xb8;
	[tilespmem:$0x12100] =	vst v63  }
0x83: {  	v3 =	vadd.s32 v1, v3  }
0x84: {  	[hbm4b:s7+s3] =	stream.indirect_vreg.scatter [tilespmem:s28], [sflag:$0x1], $0x80, v4, vm0, $0xb8;
	[tilespmem:$0x12100] =	vst v63  }
0x85: {  	_ = 	snop  }
0x86: {  	[hbm4b:s8+s3] =	stream.indirect_vreg.scatter [tilespmem:s29], [sflag:$0x1], $0x80, v4, vm0, $0xb8;
	[tilespmem:$0x12100] =	vst v63  }
0x87: {  	_ = 	snop  }
0x88: {  	[hbm4b:s2+s3] =	stream.indirect_vreg.scatter [tilespmem:s30], [sflag:$0x1], $0x80, v3, vm0, $0xb8;
	[tilespmem:$0x12100] =	vst v63  }
0x89: {  	_ = 	snop  }
0x8a: {  	[hbm4b:s6+s3] =	stream.indirect_vreg.scatter [tilespmem:s31], [sflag:$0x1], $0x80, v3, vm0, $0xb8;
	[tilespmem:$0x12100] =	vst v63  }
0x8b: {  	_ = 	snop  }
0x8c: {  	[hbm4b:s7+s3] =	stream.indirect_vreg.scatter [tilespmem:s1], [sflag:$0x1], $0x80, v3, vm0, $0xb8;
	[tilespmem:$0x12100] =	vst v63  }
0x8d: {  	s25 =	simm.s32 $0x3900  }
0x8e: {  	[hbm4b:s8+s3] =	stream.indirect_vreg.scatter [tilespmem:s25], [sflag:$0x1], $0x80, v3, vm0, $0xb8;
	[tilespmem:$0x12100] =	vst v63  }
0x8f: {  	v3 =	vld [tilespmem:$0x90];
	_ =	sdelay $0x4  }
0x90: {  	v61 =	vshll.u32 v3, $0x3  }
0x91: {  	v3 =	vand.u32 $0x7, v3;
	v4 =	vand.u32 $0xFFFFFFC0, v61  }
0x92: {  	v3 =	vor.u32 v3, v4  }
0x93: {  	v4 =	vperm.xlane v3, v0;
	_ =	sdelay $0x1  }
0x94: {  	v4 =	vadd.s32 v1, v4;
	_ =	sdelay $0x4  }
0x95: {  	[hbm4b:s2+s3] =	stream.indirect_vreg.scatter [tilespmem:s4], [sflag:$0x1], $0x80, v4, vm0, $0xb8;
	[tilespmem:$0x12100] =	vst v63  }
0x96: {  	v3 =	vperm.xlane v3, v2  }
0x97: {  	[hbm4b:s6+s3] =	stream.indirect_vreg.scatter [tilespmem:s11], [sflag:$0x1], $0x80, v4, vm0, $0xb8;
	[tilespmem:$0x12100] =	vst v63  }
0x98: {  	v3 =	vadd.s32 v1, v3  }
0x99: {  	[hbm4b:s7+s3] =	stream.indirect_vreg.scatter [tilespmem:s13], [sflag:$0x1], $0x80, v4, vm0, $0xb8;
	[tilespmem:$0x12100] =	vst v63  }
0x9a: {  	_ = 	snop  }
0x9b: {  	[hbm4b:s8+s3] =	stream.indirect_vreg.scatter [tilespmem:s14], [sflag:$0x1], $0x80, v4, vm0, $0xb8;
	[tilespmem:$0x12100] =	vst v63  }
0x9c: {  	_ = 	snop  }
0x9d: {  	[hbm4b:s2+s3] =	stream.indirect_vreg.scatter [tilespmem:s15], [sflag:$0x1], $0x80, v3, vm0, $0xb8;
	[tilespmem:$0x12100] =	vst v63  }
0x9e: {  	_ = 	snop  }
0x9f: {  	[hbm4b:s6+s3] =	stream.indirect_vreg.scatter [tilespmem:s16], [sflag:$0x1], $0x80, v3, vm0, $0xb8;
	[tilespmem:$0x12100] =	vst v63  }
0xa0: {  	_ = 	snop  }
0xa1: {  	[hbm4b:s7+s3] =	stream.indirect_vreg.scatter [tilespmem:s17], [sflag:$0x1], $0x80, v3, vm0, $0xb8;
	[tilespmem:$0x12100] =	vst v63  }
0xa2: {  	_ = 	snop  }
0xa3: {  	[hbm4b:s8+s3] =	stream.indirect_vreg.scatter [tilespmem:s18], [sflag:$0x1], $0x80, v3, vm0, $0xb8;
	[tilespmem:$0x12100] =	vst v63  }
0xa4: {  	v3 =	vld [tilespmem:$0xA0];
	_ =	sdelay $0x4  }
0xa5: {  	v62 =	vshll.u32 v3, $0x3  }
0xa6: {  	v3 =	vand.u32 $0x7, v3;
	v4 =	vand.u32 $0xFFFFFFC0, v62  }
0xa7: {  	v3 =	vor.u32 v3, v4  }
0xa8: {  	v4 =	vperm.xlane v3, v0;
	_ =	sdelay $0x1  }
0xa9: {  	v4 =	vadd.s32 v1, v4;
	_ =	sdelay $0x4  }
0xaa: {  	[hbm4b:s2+s3] =	stream.indirect_vreg.scatter [tilespmem:s19], [sflag:$0x1], $0x80, v4, vm0, $0xb8;
	[tilespmem:$0x12100] =	vst v63  }
0xab: {  	v3 =	vperm.xlane v3, v2  }
0xac: {  	[hbm4b:s6+s3] =	stream.indirect_vreg.scatter [tilespmem:s20], [sflag:$0x1], $0x80, v4, vm0, $0xb8;
	[tilespmem:$0x12100] =	vst v63  }
0xad: {  	v3 =	vadd.s32 v1, v3  }
0xae: {  	[hbm4b:s7+s3] =	stream.indirect_vreg.scatter [tilespmem:s21], [sflag:$0x1], $0x80, v4, vm0, $0xb8;
	[tilespmem:$0x12100] =	vst v63  }
0xaf: {  	_ = 	snop  }
0xb0: {  	[hbm4b:s8+s3] =	stream.indirect_vreg.scatter [tilespmem:s24], [sflag:$0x1], $0x80, v4, vm0, $0xb8;
	[tilespmem:$0x12100] =	vst v63  }
0xb1: {  	_ = 	snop  }
0xb2: {  	[hbm4b:s2+s3] =	stream.indirect_vreg.scatter [tilespmem:s12], [sflag:$0x1], $0x80, v3, vm0, $0xb8;
	[tilespmem:$0x12100] =	vst v63  }
0xb3: {  	_ = 	snop  }
0xb4: {  	[hbm4b:s6+s3] =	stream.indirect_vreg.scatter [tilespmem:s26], [sflag:$0x1], $0x80, v3, vm0, $0xb8;
	[tilespmem:$0x12100] =	vst v63  }
0xb5: {  	_ = 	snop  }
0xb6: {  	[hbm4b:s7+s3] =	stream.indirect_vreg.scatter [tilespmem:s23], [sflag:$0x1], $0x80, v3, vm0, $0xb8;
	[tilespmem:$0x12100] =	vst v63  }
0xb7: {  	s1 =	simm.s32 $0xB900  }
0xb8: {  	[hbm4b:s8+s3] =	stream.indirect_vreg.scatter [tilespmem:s1], [sflag:$0x1], $0x80, v3, vm0, $0xb8;
	[tilespmem:$0x12100] =	vst v63  }
0xb9: {  	v3 =	vld [tilespmem:$0xB0];
	_ =	sdelay $0x4  }
0xba: {  	v63 =	vshll.u32 v3, $0x3  }
0xbb: {  	v3 =	vand.u32 $0x7, v3;
	v4 =	vand.u32 $0xFFFFFFC0, v63  }
0xbc: {  	v3 =	vor.u32 v3, v4  }
0xbd: {  	v4 =	vperm.xlane v3, v0;
	_ =	sdelay $0x1  }
0xbe: {  	v4 =	vadd.s32 v1, v4;
	_ =	sdelay $0x3  }
0xbf: {  	s4 =	simm.s32 $0xC100  }
0xc0: {  	[hbm4b:s2+s3] =	stream.indirect_vreg.scatter [tilespmem:s4], [sflag:$0x1], $0x80, v4, vm0, $0xb8;
	[tilespmem:$0x12100] =	vst v63  }
0xc1: {  	s5 =	simm.s32 $0xC900;
	v3 =	vperm.xlane v3, v2  }
0xc2: {  	[hbm4b:s6+s3] =	stream.indirect_vreg.scatter [tilespmem:s5], [sflag:$0x1], $0x80, v4, vm0, $0xb8;
	[tilespmem:$0x12100] =	vst v63  }
0xc3: {  	s25 =	simm.s32 $0xD100;
	v3 =	vadd.s32 v1, v3  }
0xc4: {  	[hbm4b:s7+s3] =	stream.indirect_vreg.scatter [tilespmem:s25], [sflag:$0x1], $0x80, v4, vm0, $0xb8;
	[tilespmem:$0x12100] =	vst v63  }
0xc5: {  	s1 =	simm.s32 $0xD900  }
0xc6: {  	[hbm4b:s8+s3] =	stream.indirect_vreg.scatter [tilespmem:s1], [sflag:$0x1], $0x80, v4, vm0, $0xb8;
	[tilespmem:$0x12100] =	vst v63  }
0xc7: {  	s4 =	simm.s32 $0xE100  }
0xc8: {  	[hbm4b:s2+s3] =	stream.indirect_vreg.scatter [tilespmem:s4], [sflag:$0x1], $0x80, v3, vm0, $0xb8;
	[tilespmem:$0x12100] =	vst v63  }
0xc9: {  	s5 =	simm.s32 $0xE900  }
0xca: {  	[hbm4b:s6+s3] =	stream.indirect_vreg.scatter [tilespmem:s5], [sflag:$0x1], $0x80, v3, vm0, $0xb8;
	[tilespmem:$0x12100] =	vst v63  }
0xcb: {  	s25 =	simm.s32 $0xF100  }
0xcc: {  	[hbm4b:s7+s3] =	stream.indirect_vreg.scatter [tilespmem:s25], [sflag:$0x1], $0x80, v3, vm0, $0xb8;
	[tilespmem:$0x12100] =	vst v63  }
0xcd: {  	s1 =	simm.s32 $0xF900  }
0xce: {  	[hbm4b:s8+s3] =	stream.indirect_vreg.scatter [tilespmem:s1], [sflag:$0x1], $0x80, v3, vm0, $0xb8;
	[tilespmem:$0x12100] =	vst v63  }
0xcf: {  	_ =	swait.ge [sflag:s22], $0x10000  }
0xd0: {  	[sflag:s22] =	ssyncset.done $0x0  }
0xd1: {  	s1 =	simm.s32 $0x10100;
	s4 =	rddreg [dreg:$0x6];
	[sflag:s22] =	ssyncadd.s32 $0xFFFF0000  }
0xd2: {  	[tilespmem:s1], [sflag:$0x2] =	stream.linear.gather [hbm4b:s4+s3], $0x2000, $0x38;
	[tilespmem:$0x12100] =	vst v63  }
0xd3: {  	_ =	swait.ge [sflag:s10], $0x2000  }
0xd4: {  	[sflag:s10] =	ssyncset.done $0x0  }
0xd5: {  	s4 =	simm.s32 $0x40;
	s0 =	rddreg [dreg:$0x9];
	[sflag:s10] =	ssyncadd.s32 $0xFFFFE000  }
0xd6: {  	[hbm4b:s0+s4] =	stream.indirect.scatter [tilespmem:s1], [sflag:$0x1], $0x80, s3, s4, $0xb8;
	[tilespmem:$0x12100] =	vst v63  }
0xd7: {  	_ =	swait.ge [sflag:s22], $0x2000  }
0xd8: {  	[sflag:s22] =	ssyncset.done $0x0  }
0xd9: {  	s5 =	rddreg [dreg:$0x7];
	[sflag:s22] =	ssyncadd.s32 $0xFFFFE000  }
0xda: {  	[tilespmem:s1], [sflag:$0x2] =	stream.linear.gather [hbm4b:s5+s3], $0x2000, $0x38;
	[tilespmem:$0x12100] =	vst v63  }
0xdb: {  	_ =	swait.ge [sflag:s10], $0x2000  }
0xdc: {  	p0 =	sne.s32 s9, $0x1;
	[sflag:s10] =	ssyncset.done $0x0  }
.Ltmp0:
0xdd: {  	s25 =	simm.s32 $0x80;
	[sflag:s10] =	ssyncadd.s32 $0xFFFFE000;
	(pc) =	sbr.rel @p0 .LBB2_1-.Ltmp0, $4  }
0xde: {  	[hbm4b:s0+s4] =	stream.indirect.scatter [tilespmem:s1], [sflag:$0x1], $0x80, s25, s4, $0xb8;
	[tilespmem:$0x12100] =	vst v63  }
0xdf: {  	_ =	swait.ge [sflag:s22], $0x2000  }
0xe0: {  	[sflag:s22] =	ssyncset.done $0x0  }
0xe1: {  	s9 =	sadd.s32 $0xFFFFFFFF, s9;
	[sflag:s22] =	ssyncadd.s32 $0xFFFFE000  }
0xe2: {  	_ =	sfence.sel $0x180000  }
0xe3: {  	[bflag:$0x0] =	sbarrier.arrive $0xFFFF  }
0xe4: {  	_ =	strace $0x9000004A  }
0xe5: {  	s0 =	stileid.u32;
	[bflag:$0x2] =	sbarrier.arrive $0xFFFF  }
0xe6: {  	p0 =	sne.s32 s0, $0x0;
	s0 =	rddreg [dreg:$0x3]  }
0xe7: {  	s0 =	sadd.s32 @!p0 $0x100000, s0  }
0xe8: {  	[sflag:s0] =	ssyncadd.tile.s32 @!p0 $0x1;
	_ =	shalt  }
.Lfunc_end2:
_tile_overlayer_lowered:
.L_overlay_start_2:
0xe9: {  	(tag) =	ssettag $0x2  }
0xea: {  	s0 =	rddreg [dreg:$0x0];
	s2 =	stileid.u32  }
0xeb: {  	s1 =	rddreg [dreg:$0x1];
	p0 =	sne.s32 s2, $0x0  }
0xec: {  	s3 =	rddreg [dreg:$0x2];
	[bflag:$0x3] =	sbarrier.arrive $0xFFFF;
	s2 =	simm.s32 @!p0 $0x1C02  }
0xed: {  	[timem:s3], [sflag:s2] =	dma.local @!p0 [hbm:s0], s1  }
0xee: {  	s0 =	simm.s32 @!p0 $0x2  }
0xef: {  	_ =	swait.ge @!p0 [sflag:s0], s1  }
0xf0: {  	s1 =	ssub.s32 @!p0 $0x0, s1;
	[sflag:s0] =	ssyncset.done @!p0 $0x0  }
0xf1: {  	[sflag:s0] =	ssyncadd.s32 @!p0 s1  }
0xf2: {  	[bflag:$0x3] =	sbarrier.arrive $0xFFFF  }
0xf3: {  	_ =	shalt  }

</sc_bundles>
